<compile_context>
chip_gen: v7x
topology: tpu7x:2x2x1
jax: 0.10.2.dev20260603
libtpu: 0.0.44.dev20260713+nightly
codegen_flags: <defaults>
</compile_context>

<pallas_src>
import functools
import jax
import jax.numpy as jnp
from jax import lax
from jax.experimental import pallas as pl
from jax.experimental.pallas import tpu as pltpu
from jax.experimental.pallas import tpu_sc as plsc

F32 = jnp.float32
CHUNK = 128
NUM_WORKERS = 32


def _pads(n_nodes, n_edges):
    npad = ((n_nodes + 1 + 127) // 128) * 128
    epad = ((n_edges + NUM_WORKERS * CHUNK - 1) // (NUM_WORKERS * CHUNK)) * (
        NUM_WORKERS * CHUNK)
    return npad, epad



def _zero_rows(buf, ncols16):
    def body(i, _):
        for k in range(ncols16):
            buf[i, pl.ds(k * 16, 16)] = jnp.zeros((16,), F32)
        return 0
    lax.fori_loop(0, CHUNK, body, 0)


def _zero_acc_slice(zbuf, acc_sh, sid, rows_per_tile):
    base = sid * rows_per_tile
    full, rem = rows_per_tile // CHUNK, rows_per_tile % CHUNK
    for r in range(full):
        pltpu.sync_copy(zbuf, acc_sh.at[pl.ds(base + r * CHUNK, CHUNK)])
    if rem:
        pltpu.sync_copy(zbuf.at[pl.ds(0, rem)],
                        acc_sh.at[pl.ds(base + full * CHUNK, rem)])


def _deg_pass(sdidx, npad):
    nchunk = sdidx.shape[0]
    per_tile = nchunk // NUM_WORKERS
    rows_per_tile = npad // 16
    mesh = plsc.VectorSubcoreMesh(core_axis_name="c", subcore_axis_name="s")

    @functools.partial(
        pl.kernel,
        out_type=jax.ShapeDtypeStruct((2, npad, 16), F32),
        mesh=mesh,
        scratch_types=[
            pltpu.VMEM((2, 2, CHUNK), jnp.int32),
            pltpu.VMEM((CHUNK, 16), F32),
            pltpu.VMEM_SHARED((npad, 16), F32),
            pltpu.SemaphoreType.DMA((2,)),
        ],
    )
    def k(sdidx_hbm, out_hbm, idx_v, val_v, acc_sh, isem):
        cid = lax.axis_index("c")
        sid = lax.axis_index("s")
        wid = cid * 16 + sid
        base_g = wid * per_tile
        _zero_rows(val_v, 1)
        _zero_acc_slice(val_v, acc_sh, sid, rows_per_tile)
        plsc.subcore_barrier()

        def fill_ones(i, _):
            val_v[i] = jnp.ones((16,), F32)
            return 0
        lax.fori_loop(0, CHUNK, fill_ones, 0)

        def body(t, _):
            b = lax.rem(t, 2)
            b1 = 1 - b

            @pl.when(t < per_tile)
            def _prefetch():
                pltpu.async_copy(sdidx_hbm.at[base_g + t], idx_v.at[b],
                                 isem.at[b])

            @pl.when(t > 0)
            def _process():
                pltpu.make_async_copy(sdidx_hbm.at[base_g + t - 1],
                                      idx_v.at[b1], isem.at[b1]).wait()
                pltpu.sync_copy(val_v, acc_sh.at[idx_v.at[b1, 0]], add=True)
            return 0
        lax.fori_loop(0, per_tile + 1, body, 0)
        plsc.subcore_barrier()
        pltpu.sync_copy(acc_sh.at[pl.ds(sid * rows_per_tile, rows_per_tile)],
                        out_hbm.at[cid].at[pl.ds(sid * rows_per_tile, rows_per_tile)])

    return k(sdidx)


def _edge_pass(h_tbl, ee_tbl, dinv128, sdidx, npad):
    d = h_tbl.shape[1]
    nchunk = sdidx.shape[0]
    per_tile = nchunk // NUM_WORKERS
    rows_per_tile = npad // 16
    nd16 = d // 16
    mesh = plsc.VectorSubcoreMesh(core_axis_name="c", subcore_axis_name="s")

    @functools.partial(
        pl.kernel,
        out_type=jax.ShapeDtypeStruct((2, npad, d), F32),
        mesh=mesh,
        scratch_types=[
            pltpu.VMEM((2, CHUNK), jnp.int32),
            pltpu.VMEM((CHUNK, d), F32),
            pltpu.VMEM((CHUNK, d), F32),
            pltpu.VMEM((CHUNK, 128), F32),
            pltpu.SemaphoreType.DMA,
            pltpu.SemaphoreType.DMA,
            pltpu.SemaphoreType.DMA,
            pltpu.VMEM_SHARED((npad, d), F32),
        ],
    )
    def k(h_hbm, ee_hbm, dinv_hbm, sdidx_hbm, out_hbm,
          idx_v, hbuf, eebuf, svec, hsem, esem, vsem, acc_sh):
        cid = lax.axis_index("c")
        sid = lax.axis_index("s")
        wid = cid * 16 + sid
        base_c = wid * per_tile
        _zero_rows(hbuf, nd16)
        _zero_acc_slice(hbuf, acc_sh, sid, rows_per_tile)
        plsc.subcore_barrier()

        def body(t, _):
            c = base_c + t
            pltpu.sync_copy(sdidx_hbm.at[c], idx_v)
            pltpu.async_copy(h_hbm.at[idx_v.at[0]], hbuf, hsem)
            pltpu.async_copy(dinv_hbm.at[idx_v.at[0]], svec, vsem)
            pltpu.async_copy(ee_hbm.at[pl.ds(c * CHUNK, CHUNK)], eebuf, esem)
            pltpu.make_async_copy(h_hbm.at[idx_v.at[0]], hbuf, hsem).wait()
            pltpu.make_async_copy(dinv_hbm.at[idx_v.at[0]], svec, vsem).wait()
            pltpu.make_async_copy(ee_hbm.at[pl.ds(c * CHUNK, CHUNK)],
                                  eebuf, esem).wait()

            def edge(e, _):
                s = svec[e, 0:16]
                for kk in range(nd16):
                    v = (hbuf[e, pl.ds(kk * 16, 16)]
                         + eebuf[e, pl.ds(kk * 16, 16)])
                    hbuf[e, pl.ds(kk * 16, 16)] = jnp.maximum(v, 0.0) * s
                return 0
            lax.fori_loop(0, CHUNK, edge, 0)
            pltpu.sync_copy(hbuf, acc_sh.at[idx_v.at[1]], add=True)
            return 0
        lax.fori_loop(0, per_tile, body, 0)
        plsc.subcore_barrier()
        pltpu.sync_copy(acc_sh.at[pl.ds(sid * rows_per_tile, rows_per_tile)],
                        out_hbm.at[cid].at[pl.ds(sid * rows_per_tile, rows_per_tile)])

    return k(h_tbl, ee_tbl, dinv128, sdidx)



def _dinv_from_deg(degp):
    npad = degp.shape[1]

    def body(p_ref, o_ref):
        deg = p_ref[0, :, 0:1] + p_ref[1, :, 0:1] + 1.0
        o_ref[:] = jnp.broadcast_to(lax.rsqrt(deg), (npad, 128))
    return pl.pallas_call(
        body,
        out_shape=jax.ShapeDtypeStruct((npad, 128), F32),
    )(degp)


def _node_matmul(xp, wt, b):
    def body(x_ref, w_ref, b_ref, o_ref):
        o_ref[:] = jnp.dot(x_ref[:], w_ref[:],
                           preferred_element_type=F32) + b_ref[:]
    return pl.pallas_call(
        body,
        out_shape=jax.ShapeDtypeStruct((xp.shape[0], wt.shape[1]), F32),
    )(xp, wt, b)


def _edge_matmul(ea8, wt8, b):
    epad = ea8.shape[0]
    dout = wt8.shape[1]
    blk = 4096
    grid = epad // blk

    def body(a_ref, w_ref, b_ref, o_ref):
        o_ref[:] = jnp.dot(a_ref[:], w_ref[:],
                           preferred_element_type=F32) + b_ref[:]
    return pl.pallas_call(
        body,
        grid=(grid,),
        in_specs=[
            pl.BlockSpec((blk, 8), lambda i: (i, 0)),
            pl.BlockSpec((8, dout), lambda i: (0, 0)),
            pl.BlockSpec((1, dout), lambda i: (0, 0)),
        ],
        out_specs=pl.BlockSpec((blk, dout), lambda i: (i, 0)),
        out_shape=jax.ShapeDtypeStruct((epad, dout), F32),
    )(ea8, wt8, b)


def _combine_project(parts, hpre, degp, root, wt, b):
    def body(p_ref, h_ref, g_ref, r_ref, w_ref, b_ref, o_ref):
        deg = g_ref[0, :, 0:1] + g_ref[1, :, 0:1] + 1.0
        dinv = lax.rsqrt(deg)
        agg = (p_ref[0] + p_ref[1]) * dinv
        self_t = jnp.maximum(h_ref[:] + r_ref[:], 0.0) / deg
        h = jnp.maximum(agg + self_t, 0.0)
        o_ref[:] = jnp.dot(h, w_ref[:], preferred_element_type=F32) + b_ref[:]
    return pl.pallas_call(
        body,
        out_shape=jax.ShapeDtypeStruct((hpre.shape[0], wt.shape[1]), F32),
    )(parts, hpre, degp, root, wt, b)


def _combine_final(parts, hpre, degp, root):
    def body(p_ref, h_ref, g_ref, r_ref, o_ref):
        deg = g_ref[0, :, 0:1] + g_ref[1, :, 0:1] + 1.0
        dinv = lax.rsqrt(deg)
        agg = (p_ref[0] + p_ref[1]) * dinv
        o_ref[:] = agg + jnp.maximum(h_ref[:] + r_ref[:], 0.0) / deg
    return pl.pallas_call(
        body,
        out_shape=jax.ShapeDtypeStruct(hpre.shape, F32),
    )(parts, hpre, degp, root)



def kernel(x, edge_index, edge_attr,
           W1, b1, root1, We1, be1,
           Wmu, bmu, rootmu, Wemu, bemu,
           Wls, bls, rootls, Wels, bels):
    n, d_in = x.shape
    e = edge_index.shape[1]
    d_edge = edge_attr.shape[1]
    npad, epad = _pads(n, e)

    xp = jnp.pad(x, ((0, npad - n), (0, 0)))
    pad_cnt = epad - e
    dump = n + (jnp.arange(pad_cnt, dtype=jnp.int32) % (npad - n))
    sidx = jnp.concatenate([edge_index[0], dump]).reshape(-1, 1, CHUNK)
    didx = jnp.concatenate([edge_index[1], dump]).reshape(-1, 1, CHUNK)
    sdidx = jnp.concatenate([sidx, didx], axis=1)
    ea8 = jnp.pad(edge_attr, ((0, pad_cnt), (0, 8 - d_edge)))

    w1t = W1.T
    wcat_t = jnp.concatenate([Wmu.T, Wls.T], axis=1)
    bcat = jnp.concatenate([bmu, bls]).reshape(1, -1)
    rootcat = jnp.concatenate([rootmu, rootls], axis=1)
    we1t8 = jnp.pad(We1.T, ((0, 8 - d_edge), (0, 0)))
    wecat_t8 = jnp.pad(jnp.concatenate([Wemu.T, Wels.T], axis=1),
                       ((0, 8 - d_edge), (0, 0)))
    becat = jnp.concatenate([bemu, bels]).reshape(1, -1)

    degp = _deg_pass(sdidx, npad)
    dinv128 = _dinv_from_deg(degp)

    h1pre = _node_matmul(xp, w1t, b1.reshape(1, -1))
    ee1 = _edge_matmul(ea8, we1t8, be1.reshape(1, -1))
    p1 = _edge_pass(h1pre, ee1, dinv128, sdidx, npad)
    hcat = _combine_project(p1, h1pre, degp, root1, wcat_t, bcat)

    eecat = _edge_matmul(ea8, wecat_t8, becat)
    pcat = _edge_pass(hcat, eecat, dinv128, sdidx, npad)
    outcat = _combine_final(pcat, hcat, degp, rootcat)

    d_out = Wmu.shape[0]
    return (outcat[:n, :d_out], outcat[:n, d_out:2 * d_out])

# --- scband reference (transcript-rebuilt; emitter-appended) ---
"""Pipeline reference for scband-encoder-90915867722224 (READ-ONLY COPY).

The authoritative reference and input builder live on the scoring server;
editing this copy changes nothing except your own understanding.
"""

import jax, jax.numpy as jnp
import numpy as np

N = 10000
E = 320000
D_IN = 128
D_OUT = 64
D_HID = 128  # 2 * out_channels
D_EDGE = 7


def _mk_linear(key, out_dim, in_dim):
    k1, k2 = jax.random.split(key)
    s = 1.0 / np.sqrt(in_dim)
    W = jax.random.uniform(k1, (out_dim, in_dim), jnp.float32, -s, s)
    b = jax.random.uniform(k2, (out_dim,), jnp.float32, -s, s)
    return W, b


def setup_inputs(seed: int = 0) -> dict:
    key = jax.random.key(seed)
    ks = jax.random.split(key, 12)
    inp = {}
    inp['x'] = jax.random.normal(ks[0], (N, D_IN), dtype=jnp.float32)
    inp['edge_index'] = jax.random.randint(ks[1], (2, E), 0, N, dtype=jnp.int32)
    inp['edge_attr'] = jax.random.normal(ks[2], (E, D_EDGE), dtype=jnp.float32)
    # conv1: D_IN -> D_HID
    inp['W1'], inp['b1'] = _mk_linear(ks[3], D_HID, D_IN)
    inp['root1'] = jax.random.normal(ks[4], (1, D_HID), dtype=jnp.float32)
    inp['We1'], inp['be1'] = _mk_linear(ks[5], D_HID, D_EDGE)
    # conv_mu: D_HID -> D_OUT
    inp['Wmu'], inp['bmu'] = _mk_linear(ks[6], D_OUT, D_HID)
    inp['rootmu'] = jax.random.normal(ks[7], (1, D_OUT), dtype=jnp.float32)
    inp['Wemu'], inp['bemu'] = _mk_linear(ks[8], D_OUT, D_EDGE)
    # conv_logstd: D_HID -> D_OUT
    inp['Wls'], inp['bls'] = _mk_linear(ks[9], D_OUT, D_HID)
    inp['rootls'] = jax.random.normal(ks[10], (1, D_OUT), dtype=jnp.float32)
    inp['Wels'], inp['bels'] = _mk_linear(ks[11], D_OUT, D_EDGE)
    return inp


def _gcn_conv(x, edge_index, edge_attr, W, b, root, We, be):
    h = x @ W.T + b
    ee = edge_attr @ We.T + be
    row = edge_index[0]
    col = edge_index[1]
    n = h.shape[0]
    deg = jax.ops.segment_sum(jnp.ones((row.shape[0],), h.dtype), row, num_segments=n) + 1.0
    dinv = deg ** -0.5
    norm = dinv[row] * dinv[col]
    msg = norm[:, None] * jax.nn.relu(h[row] + ee)  # message(x_j, edge_attr, norm)
    agg = jax.ops.segment_sum(msg, col, num_segments=n)  # aggr='add' at target nodes
    return agg + jax.nn.relu(h + root) * (1.0 / deg[:, None])


def reference(x, edge_index, edge_attr,
              W1, b1, root1, We1, be1,
              Wmu, bmu, rootmu, Wemu, bemu,
              Wls, bls, rootls, Wels, bels):
    h = jax.nn.relu(_gcn_conv(x, edge_index, edge_attr, W1, b1, root1, We1, be1))
    mu = _gcn_conv(h, edge_index, edge_attr, Wmu, bmu, rootmu, Wemu, bemu)
    logstd = _gcn_conv(h, edge_index, edge_attr, Wls, bls, rootls, Wels, bels)
    return (mu, logstd)

if __name__ == "__main__":
    import jax
    _d = setup_inputs()
    print(jax.jit(kernel)(*tuple(_d.values())))

</pallas_src>

<mosaic_0001>
#map = affine_map<(d0, d1) -> (0, 0)>
#map1 = affine_map<(d0, d1) -> (0, 0, 0)>
module attributes {stable_mosaic.version = 14 : i64} {
  func.func @k(%arg0: i32, %arg1: i32, %arg2: memref<10112x128xf32, #tpu.memory_space<hbm>>, %arg3: memref<323584x128xf32, #tpu.memory_space<hbm>>, %arg4: memref<10112x128xf32, #tpu.memory_space<hbm>>, %arg5: memref<2528x2x128xi32, #tpu.memory_space<hbm>>, %arg6: memref<2x10112x128xf32, #tpu.memory_space<hbm>>, %arg7: memref<2x128xi32, #tpu.memory_space<vmem>>, %arg8: memref<128x128xf32, #tpu.memory_space<vmem>>, %arg9: memref<128x128xf32, #tpu.memory_space<vmem>>, %arg10: memref<128x128xf32, #tpu.memory_space<vmem>>, %arg11: memref<!tpu.dma_semaphore, #tpu.memory_space<semaphore_mem>>, %arg12: memref<!tpu.dma_semaphore, #tpu.memory_space<semaphore_mem>>, %arg13: memref<!tpu.dma_semaphore, #tpu.memory_space<semaphore_mem>>, %arg14: memref<10112x128xf32, #tpu.memory_space<vmem_shared>>) attributes {dimension_semantics = [#tpu.dimension_semantics<core_parallel>, #tpu.dimension_semantics<subcore_parallel>], iteration_bounds = array<i64: 2, 16>, scalar_prefetch = 0 : i64, scratch_operands = 8 : i64, tpu.core_type = #tpu.core_type<sc_vector_subcore>, window_params = [{transform_indices = #map}, {transform_indices = #map}, {transform_indices = #map}, {transform_indices = #map1}, {transform_indices = #map1}]} {
    %mul3A = arith.constant 16 : i32
    %mul3A_0 = arith.muli %arg0, %mul3A : i32
    %add3A = arith.addi %mul3A_0, %arg1 : i32
    %mul3A_1 = arith.constant 79 : i32
    %mul3A_2 = arith.muli %add3A, %mul3A_1 : i32
    %scan3A = arith.constant 0 : i32
    %scan3A_3 = arith.constant 0 : i32
    %scan3A_4 = arith.constant 128 : i32
    %scan3A_5 = arith.addi %scan3A_3, %scan3A_4 : i32
    %scan3A_6 = arith.constant 1 : i32
    %scan3A_7 = scf.for %scan3A_33 = %scan3A_3 to %scan3A_5 step %scan3A_6 iter_args(%scan3A_34 = %scan3A) -> (i32)  : i32 {
      %broadcast_in_dim3A = arith.constant 0.000000e+00 : f32
      %broadcast_in_dim3A_35 = vector.broadcast %broadcast_in_dim3A : f32 to vector<16xf32>
      %swap3A = arith.index_cast %scan3A_33 : i32 to index
      %swap3A_36 = arith.constant 0 : index
      %swap3A_37 = tpu.vector_load %arg8[%swap3A, %swap3A_36] {strides = array<i32>} : memref<128x128xf32, #tpu.memory_space<vmem>>, vector<1x16xf32>,
      %swap3A_38 = vector.shape_cast %swap3A_37 : vector<1x16xf32> to vector<16xf32>
      %swap3A_39 = vector.shape_cast %broadcast_in_dim3A_35 : vector<16xf32> to vector<1x16xf32>
      tpu.vector_store %arg8[%swap3A, %swap3A_36], %swap3A_39 {strides = array<i32>} : memref<128x128xf32, #tpu.memory_space<vmem>>, vector<1x16xf32>,
      %broadcast_in_dim3A_40 = arith.constant 0.000000e+00 : f32
      %broadcast_in_dim3A_41 = vector.broadcast %broadcast_in_dim3A_40 : f32 to vector<16xf32>
      %swap3A_42 = arith.index_cast %scan3A_33 : i32 to index
      %swap3A_43 = arith.constant 16 : index
      %swap3A_44 = tpu.vector_load %arg8[%swap3A_42, %swap3A_43] {strides = array<i32>} : memref<128x128xf32, #tpu.memory_space<vmem>>, vector<1x16xf32>,
      %swap3A_45 = vector.shape_cast %swap3A_44 : vector<1x16xf32> to vector<16xf32>
      %swap3A_46 = vector.shape_cast %broadcast_in_dim3A_41 : vector<16xf32> to vector<1x16xf32>
      tpu.vector_store %arg8[%swap3A_42, %swap3A_43], %swap3A_46 {strides = array<i32>} : memref<128x128xf32, #tpu.memory_space<vmem>>, vector<1x16xf32>,
      %broadcast_in_dim3A_47 = arith.constant 0.000000e+00 : f32
      %broadcast_in_dim3A_48 = vector.broadcast %broadcast_in_dim3A_47 : f32 to vector<16xf32>
      %swap3A_49 = arith.index_cast %scan3A_33 : i32 to index
      %swap3A_50 = arith.constant 32 : index
      %swap3A_51 = tpu.vector_load %arg8[%swap3A_49, %swap3A_50] {strides = array<i32>} : memref<128x128xf32, #tpu.memory_space<vmem>>, vector<1x16xf32>,
      %swap3A_52 = vector.shape_cast %swap3A_51 : vector<1x16xf32> to vector<16xf32>
      %swap3A_53 = vector.shape_cast %broadcast_in_dim3A_48 : vector<16xf32> to vector<1x16xf32>
      tpu.vector_store %arg8[%swap3A_49, %swap3A_50], %swap3A_53 {strides = array<i32>} : memref<128x128xf32, #tpu.memory_space<vmem>>, vector<1x16xf32>,
      %broadcast_in_dim3A_54 = arith.constant 0.000000e+00 : f32
      %broadcast_in_dim3A_55 = vector.broadcast %broadcast_in_dim3A_54 : f32 to vector<16xf32>
      %swap3A_56 = arith.index_cast %scan3A_33 : i32 to index
      %swap3A_57 = arith.constant 48 : index
      %swap3A_58 = tpu.vector_load %arg8[%swap3A_56, %swap3A_57] {strides = array<i32>} : memref<128x128xf32, #tpu.memory_space<vmem>>, vector<1x16xf32>,
      %swap3A_59 = vector.shape_cast %swap3A_58 : vector<1x16xf32> to vector<16xf32>
      %swap3A_60 = vector.shape_cast %broadcast_in_dim3A_55 : vector<16xf32> to vector<1x16xf32>
      tpu.vector_store %arg8[%swap3A_56, %swap3A_57], %swap3A_60 {strides = array<i32>} : memref<128x128xf32, #tpu.memory_space<vmem>>, vector<1x16xf32>,
      %broadcast_in_dim3A_61 = arith.constant 0.000000e+00 : f32
      %broadcast_in_dim3A_62 = vector.broadcast %broadcast_in_dim3A_61 : f32 to vector<16xf32>
      %swap3A_63 = arith.index_cast %scan3A_33 : i32 to index
      %swap3A_64 = arith.constant 64 : index
      %swap3A_65 = tpu.vector_load %arg8[%swap3A_63, %swap3A_64] {strides = array<i32>} : memref<128x128xf32, #tpu.memory_space<vmem>>, vector<1x16xf32>,
      %swap3A_66 = vector.shape_cast %swap3A_65 : vector<1x16xf32> to vector<16xf32>
      %swap3A_67 = vector.shape_cast %broadcast_in_dim3A_62 : vector<16xf32> to vector<1x16xf32>
      tpu.vector_store %arg8[%swap3A_63, %swap3A_64], %swap3A_67 {strides = array<i32>} : memref<128x128xf32, #tpu.memory_space<vmem>>, vector<1x16xf32>,
      %broadcast_in_dim3A_68 = arith.constant 0.000000e+00 : f32
      %broadcast_in_dim3A_69 = vector.broadcast %broadcast_in_dim3A_68 : f32 to vector<16xf32>
      %swap3A_70 = arith.index_cast %scan3A_33 : i32 to index
      %swap3A_71 = arith.constant 80 : index
      %swap3A_72 = tpu.vector_load %arg8[%swap3A_70, %swap3A_71] {strides = array<i32>} : memref<128x128xf32, #tpu.memory_space<vmem>>, vector<1x16xf32>,
      %swap3A_73 = vector.shape_cast %swap3A_72 : vector<1x16xf32> to vector<16xf32>
      %swap3A_74 = vector.shape_cast %broadcast_in_dim3A_69 : vector<16xf32> to vector<1x16xf32>
      tpu.vector_store %arg8[%swap3A_70, %swap3A_71], %swap3A_74 {strides = array<i32>} : memref<128x128xf32, #tpu.memory_space<vmem>>, vector<1x16xf32>,
      %broadcast_in_dim3A_75 = arith.constant 0.000000e+00 : f32
      %broadcast_in_dim3A_76 = vector.broadcast %broadcast_in_dim3A_75 : f32 to vector<16xf32>
      %swap3A_77 = arith.index_cast %scan3A_33 : i32 to index
      %swap3A_78 = arith.constant 96 : index
      %swap3A_79 = tpu.vector_load %arg8[%swap3A_77, %swap3A_78] {strides = array<i32>} : memref<128x128xf32, #tpu.memory_space<vmem>>, vector<1x16xf32>,
      %swap3A_80 = vector.shape_cast %swap3A_79 : vector<1x16xf32> to vector<16xf32>
      %swap3A_81 = vector.shape_cast %broadcast_in_dim3A_76 : vector<16xf32> to vector<1x16xf32>
      tpu.vector_store %arg8[%swap3A_77, %swap3A_78], %swap3A_81 {strides = array<i32>} : memref<128x128xf32, #tpu.memory_space<vmem>>, vector<1x16xf32>,
      %broadcast_in_dim3A_82 = arith.constant 0.000000e+00 : f32
      %broadcast_in_dim3A_83 = vector.broadcast %broadcast_in_dim3A_82 : f32 to vector<16xf32>
      %swap3A_84 = arith.index_cast %scan3A_33 : i32 to index
      %swap3A_85 = arith.constant 112 : index
      %swap3A_86 = tpu.vector_load %arg8[%swap3A_84, %swap3A_85] {strides = array<i32>} : memref<128x128xf32, #tpu.memory_space<vmem>>, vector<1x16xf32>,
      %swap3A_87 = vector.shape_cast %swap3A_86 : vector<1x16xf32> to vector<16xf32>
      %swap3A_88 = vector.shape_cast %broadcast_in_dim3A_83 : vector<16xf32> to vector<1x16xf32>
      tpu.vector_store %arg8[%swap3A_84, %swap3A_85], %swap3A_88 {strides = array<i32>} : memref<128x128xf32, #tpu.memory_space<vmem>>, vector<1x16xf32>,
      %scan3A_89 = arith.constant 0 : i32
      scf.yield %scan3A_89 : i32
    }
    %scan3A_8 = arith.constant 128 : i32
    %mul3A_9 = arith.constant 632 : i32
    %mul3A_10 = arith.muli %arg1, %mul3A_9 : i32
    %add3A_11 = arith.constant 0 : i32
    %add3A_12 = arith.addi %mul3A_10, %add3A_11 : i32
    "tpu.region"() ({
      %run_scoped3A = tpu.sem_alloc : memref<!tpu.dma_semaphore, #tpu.memory_space<semaphore_mem>>
      %dma_start3A = arith.constant 0 : i32
      %dma_start3A_33 = tpu.memref_slice %arg14[%add3A_12, %dma_start3A] : memref<10112x128xf32, #tpu.memory_space<vmem_shared>> -> memref<128x128xf32, #tpu.memory_space<vmem_shared>>
      %dma_start3A_34 = arith.constant 0 : i32
      %dma_start3A_35 = tpu.memref_slice %arg14[%add3A_12, %dma_start3A_34] : memref<10112x128xf32, #tpu.memory_space<vmem_shared>> -> memref<128x128xf32, #tpu.memory_space<vmem_shared>>
      tpu.enqueue_dma source(%arg8 : memref<128x128xf32, #tpu.memory_space<vmem>>) target(%dma_start3A_35 : memref<128x128xf32, #tpu.memory_space<vmem_shared>>) target_semaphore(%run_scoped3A : memref<!tpu.dma_semaphore, #tpu.memory_space<semaphore_mem>>)
      %dma_wait3A = arith.constant 0 : i32
      %dma_wait3A_36 = tpu.memref_slice %arg14[%add3A_12, %dma_wait3A] : memref<10112x128xf32, #tpu.memory_space<vmem_shared>> -> memref<128x128xf32, #tpu.memory_space<vmem_shared>>
      %dma_wait3A_37 = arith.constant 0 : i32
      %dma_wait3A_38 = tpu.memref_slice %arg14[%add3A_12, %dma_wait3A_37] : memref<10112x128xf32, #tpu.memory_space<vmem_shared>> -> memref<128x128xf32, #tpu.memory_space<vmem_shared>>
      tpu.wait_dma2 semaphore(%run_scoped3A : memref<!tpu.dma_semaphore, #tpu.memory_space<semaphore_mem>>) src(%arg8 : memref<128x128xf32, #tpu.memory_space<vmem>>) dst(%dma_wait3A_38 : memref<128x128xf32, #tpu.memory_space<vmem_shared>>)
      tpu.yield
    }) : () -> ()
    %add3A_13 = arith.constant 128 : i32
    %add3A_14 = arith.addi %mul3A_10, %add3A_13 : i32
    "tpu.region"() ({
      %run_scoped3A = tpu.sem_alloc : memref<!tpu.dma_semaphore, #tpu.memory_space<semaphore_mem>>
      %dma_start3A = arith.constant 0 : i32
      %dma_start3A_33 = tpu.memref_slice %arg14[%add3A_14, %dma_start3A] : memref<10112x128xf32, #tpu.memory_space<vmem_shared>> -> memref<128x128xf32, #tpu.memory_space<vmem_shared>>
      %dma_start3A_34 = arith.constant 0 : i32
      %dma_start3A_35 = tpu.memref_slice %arg14[%add3A_14, %dma_start3A_34] : memref<10112x128xf32, #tpu.memory_space<vmem_shared>> -> memref<128x128xf32, #tpu.memory_space<vmem_shared>>
      tpu.enqueue_dma source(%arg8 : memref<128x128xf32, #tpu.memory_space<vmem>>) target(%dma_start3A_35 : memref<128x128xf32, #tpu.memory_space<vmem_shared>>) target_semaphore(%run_scoped3A : memref<!tpu.dma_semaphore, #tpu.memory_space<semaphore_mem>>)
      %dma_wait3A = arith.constant 0 : i32
      %dma_wait3A_36 = tpu.memref_slice %arg14[%add3A_14, %dma_wait3A] : memref<10112x128xf32, #tpu.memory_space<vmem_shared>> -> memref<128x128xf32, #tpu.memory_space<vmem_shared>>
      %dma_wait3A_37 = arith.constant 0 : i32
      %dma_wait3A_38 = tpu.memref_slice %arg14[%add3A_14, %dma_wait3A_37] : memref<10112x128xf32, #tpu.memory_space<vmem_shared>> -> memref<128x128xf32, #tpu.memory_space<vmem_shared>>
      tpu.wait_dma2 semaphore(%run_scoped3A : memref<!tpu.dma_semaphore, #tpu.memory_space<semaphore_mem>>) src(%arg8 : memref<128x128xf32, #tpu.memory_space<vmem>>) dst(%dma_wait3A_38 : memref<128x128xf32, #tpu.memory_space<vmem_shared>>)
      tpu.yield
    }) : () -> ()
    %add3A_15 = arith.constant 256 : i32
    %add3A_16 = arith.addi %mul3A_10, %add3A_15 : i32
    "tpu.region"() ({
      %run_scoped3A = tpu.sem_alloc : memref<!tpu.dma_semaphore, #tpu.memory_space<semaphore_mem>>
      %dma_start3A = arith.constant 0 : i32
      %dma_start3A_33 = tpu.memref_slice %arg14[%add3A_16, %dma_start3A] : memref<10112x128xf32, #tpu.memory_space<vmem_shared>> -> memref<128x128xf32, #tpu.memory_space<vmem_shared>>
      %dma_start3A_34 = arith.constant 0 : i32
      %dma_start3A_35 = tpu.memref_slice %arg14[%add3A_16, %dma_start3A_34] : memref<10112x128xf32, #tpu.memory_space<vmem_shared>> -> memref<128x128xf32, #tpu.memory_space<vmem_shared>>
      tpu.enqueue_dma source(%arg8 : memref<128x128xf32, #tpu.memory_space<vmem>>) target(%dma_start3A_35 : memref<128x128xf32, #tpu.memory_space<vmem_shared>>) target_semaphore(%run_scoped3A : memref<!tpu.dma_semaphore, #tpu.memory_space<semaphore_mem>>)
      %dma_wait3A = arith.constant 0 : i32
      %dma_wait3A_36 = tpu.memref_slice %arg14[%add3A_16, %dma_wait3A] : memref<10112x128xf32, #tpu.memory_space<vmem_shared>> -> memref<128x128xf32, #tpu.memory_space<vmem_shared>>
      %dma_wait3A_37 = arith.constant 0 : i32
      %dma_wait3A_38 = tpu.memref_slice %arg14[%add3A_16, %dma_wait3A_37] : memref<10112x128xf32, #tpu.memory_space<vmem_shared>> -> memref<128x128xf32, #tpu.memory_space<vmem_shared>>
      tpu.wait_dma2 semaphore(%run_scoped3A : memref<!tpu.dma_semaphore, #tpu.memory_space<semaphore_mem>>) src(%arg8 : memref<128x128xf32, #tpu.memory_space<vmem>>) dst(%dma_wait3A_38 : memref<128x128xf32, #tpu.memory_space<vmem_shared>>)
      tpu.yield
    }) : () -> ()
    %add3A_17 = arith.constant 384 : i32
    %add3A_18 = arith.addi %mul3A_10, %add3A_17 : i32
    "tpu.region"() ({
      %run_scoped3A = tpu.sem_alloc : memref<!tpu.dma_semaphore, #tpu.memory_space<semaphore_mem>>
      %dma_start3A = arith.constant 0 : i32
      %dma_start3A_33 = tpu.memref_slice %arg14[%add3A_18, %dma_start3A] : memref<10112x128xf32, #tpu.memory_space<vmem_shared>> -> memref<128x128xf32, #tpu.memory_space<vmem_shared>>
      %dma_start3A_34 = arith.constant 0 : i32
      %dma_start3A_35 = tpu.memref_slice %arg14[%add3A_18, %dma_start3A_34] : memref<10112x128xf32, #tpu.memory_space<vmem_shared>> -> memref<128x128xf32, #tpu.memory_space<vmem_shared>>
      tpu.enqueue_dma source(%arg8 : memref<128x128xf32, #tpu.memory_space<vmem>>) target(%dma_start3A_35 : memref<128x128xf32, #tpu.memory_space<vmem_shared>>) target_semaphore(%run_scoped3A : memref<!tpu.dma_semaphore, #tpu.memory_space<semaphore_mem>>)
      %dma_wait3A = arith.constant 0 : i32
      %dma_wait3A_36 = tpu.memref_slice %arg14[%add3A_18, %dma_wait3A] : memref<10112x128xf32, #tpu.memory_space<vmem_shared>> -> memref<128x128xf32, #tpu.memory_space<vmem_shared>>
      %dma_wait3A_37 = arith.constant 0 : i32
      %dma_wait3A_38 = tpu.memref_slice %arg14[%add3A_18, %dma_wait3A_37] : memref<10112x128xf32, #tpu.memory_space<vmem_shared>> -> memref<128x128xf32, #tpu.memory_space<vmem_shared>>
      tpu.wait_dma2 semaphore(%run_scoped3A : memref<!tpu.dma_semaphore, #tpu.memory_space<semaphore_mem>>) src(%arg8 : memref<128x128xf32, #tpu.memory_space<vmem>>) dst(%dma_wait3A_38 : memref<128x128xf32, #tpu.memory_space<vmem_shared>>)
      tpu.yield
    }) : () -> ()
    %add3A_19 = arith.constant 512 : i32
    %add3A_20 = arith.addi %mul3A_10, %add3A_19 : i32
    "tpu.region"() ({
      %run_scoped3A = tpu.sem_alloc : memref<!tpu.dma_semaphore, #tpu.memory_space<semaphore_mem>>
      %dma_start3A = arith.constant 0 : i32
      %dma_start3A_33 = arith.constant 0 : i32
      %dma_start3A_34 = tpu.memref_slice %arg8[%dma_start3A, %dma_start3A_33] : memref<128x128xf32, #tpu.memory_space<vmem>> -> memref<120x128xf32, #tpu.memory_space<vmem>>
      %dma_start3A_35 = arith.constant 0 : i32
      %dma_start3A_36 = tpu.memref_slice %arg14[%add3A_20, %dma_start3A_35] : memref<10112x128xf32, #tpu.memory_space<vmem_shared>> -> memref<120x128xf32, #tpu.memory_space<vmem_shared>>
      %dma_start3A_37 = arith.constant 0 : i32
      %dma_start3A_38 = tpu.memref_slice %arg14[%add3A_20, %dma_start3A_37] : memref<10112x128xf32, #tpu.memory_space<vmem_shared>> -> memref<120x128xf32, #tpu.memory_space<vmem_shared>>
      %dma_start3A_39 = arith.constant 0 : i32
      %dma_start3A_40 = arith.constant 0 : i32
      %dma_start3A_41 = tpu.memref_slice %arg8[%dma_start3A_39, %dma_start3A_40] : memref<128x128xf32, #tpu.memory_space<vmem>> -> memref<120x128xf32, #tpu.memory_space<vmem>>
      tpu.enqueue_dma source(%dma_start3A_41 : memref<120x128xf32, #tpu.memory_space<vmem>>) target(%dma_start3A_38 : memref<120x128xf32, #tpu.memory_space<vmem_shared>>) target_semaphore(%run_scoped3A : memref<!tpu.dma_semaphore, #tpu.memory_space<semaphore_mem>>)
      %dma_wait3A = arith.constant 0 : i32
      %dma_wait3A_42 = arith.constant 0 : i32
      %dma_wait3A_43 = tpu.memref_slice %arg8[%dma_wait3A, %dma_wait3A_42] : memref<128x128xf32, #tpu.memory_space<vmem>> -> memref<120x128xf32, #tpu.memory_space<vmem>>
      %dma_wait3A_44 = arith.constant 0 : i32
      %dma_wait3A_45 = tpu.memref_slice %arg14[%add3A_20, %dma_wait3A_44] : memref<10112x128xf32, #tpu.memory_space<vmem_shared>> -> memref<120x128xf32, #tpu.memory_space<vmem_shared>>
      %dma_wait3A_46 = arith.constant 0 : i32
      %dma_wait3A_47 = tpu.memref_slice %arg14[%add3A_20, %dma_wait3A_46] : memref<10112x128xf32, #tpu.memory_space<vmem_shared>> -> memref<120x128xf32, #tpu.memory_space<vmem_shared>>
      %dma_wait3A_48 = arith.constant 0 : i32
      %dma_wait3A_49 = arith.constant 0 : i32
      %dma_wait3A_50 = tpu.memref_slice %arg8[%dma_wait3A_48, %dma_wait3A_49] : memref<128x128xf32, #tpu.memory_space<vmem>> -> memref<120x128xf32, #tpu.memory_space<vmem>>
      tpu.wait_dma2 semaphore(%run_scoped3A : memref<!tpu.dma_semaphore, #tpu.memory_space<semaphore_mem>>) src(%dma_wait3A_50 : memref<120x128xf32, #tpu.memory_space<vmem>>) dst(%dma_wait3A_47 : memref<120x128xf32, #tpu.memory_space<vmem_shared>>)
      tpu.yield
    }) : () -> ()
    %barrier3A = arith.constant 0 : index
    tpu.barrier barrier_id(%barrier3A)
    %scan3A_21 = arith.constant 0 : i32
    %scan3A_22 = arith.constant 0 : i32
    %scan3A_23 = arith.constant 79 : i32
    %scan3A_24 = arith.addi %scan3A_22, %scan3A_23 : i32
    %scan3A_25 = arith.constant 1 : i32
    %scan3A_26 = scf.for %scan3A_33 = %scan3A_22 to %scan3A_24 step %scan3A_25 iter_args(%scan3A_34 = %scan3A_21) -> (i32)  : i32 {
      %add3A_35 = arith.addi %mul3A_2, %scan3A_33 : i32
      "tpu.region"() ({
        %run_scoped3A_82 = tpu.sem_alloc : memref<!tpu.dma_semaphore, #tpu.memory_space<semaphore_mem>>
        %dma_start3A_83 = arith.constant 0 : i32
        %dma_start3A_84 = arith.constant 0 : i32
        %dma_start3A_85 = tpu.memref_slice %arg5[%add3A_35, %dma_start3A_83, %dma_start3A_84] : memref<2528x2x128xi32, #tpu.memory_space<hbm>> -> memref<1x2x128xi32, #tpu.memory_space<hbm>>
        %dma_start3A_86 = tpu.memref_squeeze %dma_start3A_85 : memref<1x2x128xi32, #tpu.memory_space<hbm>> -> memref<2x128xi32, #tpu.memory_space<hbm>>
        %dma_start3A_87 = arith.constant 0 : i32
        %dma_start3A_88 = arith.constant 0 : i32
        %dma_start3A_89 = tpu.memref_slice %arg5[%add3A_35, %dma_start3A_87, %dma_start3A_88] : memref<2528x2x128xi32, #tpu.memory_space<hbm>> -> memref<1x2x128xi32, #tpu.memory_space<hbm>>
        %dma_start3A_90 = tpu.memref_squeeze %dma_start3A_89 : memref<1x2x128xi32, #tpu.memory_space<hbm>> -> memref<2x128xi32, #tpu.memory_space<hbm>>
        tpu.enqueue_dma source(%dma_start3A_90 : memref<2x128xi32, #tpu.memory_space<hbm>>) target(%arg7 : memref<2x128xi32, #tpu.memory_space<vmem>>) target_semaphore(%run_scoped3A_82 : memref<!tpu.dma_semaphore, #tpu.memory_space<semaphore_mem>>)
        %dma_wait3A_91 = arith.constant 0 : i32
        %dma_wait3A_92 = arith.constant 0 : i32
        %dma_wait3A_93 = tpu.memref_slice %arg5[%add3A_35, %dma_wait3A_91, %dma_wait3A_92] : memref<2528x2x128xi32, #tpu.memory_space<hbm>> -> memref<1x2x128xi32, #tpu.memory_space<hbm>>
        %dma_wait3A_94 = tpu.memref_squeeze %dma_wait3A_93 : memref<1x2x128xi32, #tpu.memory_space<hbm>> -> memref<2x128xi32, #tpu.memory_space<hbm>>
        %dma_wait3A_95 = arith.constant 0 : i32
        %dma_wait3A_96 = arith.constant 0 : i32
        %dma_wait3A_97 = tpu.memref_slice %arg5[%add3A_35, %dma_wait3A_95, %dma_wait3A_96] : memref<2528x2x128xi32, #tpu.memory_space<hbm>> -> memref<1x2x128xi32, #tpu.memory_space<hbm>>
        %dma_wait3A_98 = tpu.memref_squeeze %dma_wait3A_97 : memref<1x2x128xi32, #tpu.memory_space<hbm>> -> memref<2x128xi32, #tpu.memory_space<hbm>>
        tpu.wait_dma2 semaphore(%run_scoped3A_82 : memref<!tpu.dma_semaphore, #tpu.memory_space<semaphore_mem>>) src(%dma_wait3A_98 : memref<2x128xi32, #tpu.memory_space<hbm>>) dst(%arg7 : memref<2x128xi32, #tpu.memory_space<vmem>>)
        tpu.yield
      }) : () -> ()
      %dma_start3A = arith.constant 0 : i32
      %dma_start3A_36 = arith.constant 0 : i32
      %dma_start3A_37 = tpu.memref_slice %arg7[%dma_start3A, %dma_start3A_36] : memref<2x128xi32, #tpu.memory_space<vmem>> -> memref<1x128xi32, #tpu.memory_space<vmem>>
      %dma_start3A_38 = tpu.memref_squeeze %dma_start3A_37 : memref<1x128xi32, #tpu.memory_space<vmem>> -> memref<128xi32, #tpu.memory_space<vmem>>
      %dma_start3A_39 = arith.constant 0 : i32
      %dma_start3A_40 = arith.constant 0 : i32
      %dma_start3A_41 = tpu.memref_slice %arg2[%dma_start3A_39, %dma_start3A_40] : memref<10112x128xf32, #tpu.memory_space<hbm>> -> memref<10112x128xf32, #tpu.memory_space<hbm>>
      tpu.enqueue_indirect_dma source(%dma_start3A_41 : memref<10112x128xf32, #tpu.memory_space<hbm>>) target(%arg8 : memref<128x128xf32, #tpu.memory_space<vmem>>) offsets(%dma_start3A_38 : memref<128xi32, #tpu.memory_space<vmem>>) semaphore(%arg11 : memref<!tpu.dma_semaphore, #tpu.memory_space<semaphore_mem>>)
      %dma_start3A_42 = arith.constant 0 : i32
      %dma_start3A_43 = arith.constant 0 : i32
      %dma_start3A_44 = tpu.memref_slice %arg7[%dma_start3A_42, %dma_start3A_43] : memref<2x128xi32, #tpu.memory_space<vmem>> -> memref<1x128xi32, #tpu.memory_space<vmem>>
      %dma_start3A_45 = tpu.memref_squeeze %dma_start3A_44 : memref<1x128xi32, #tpu.memory_space<vmem>> -> memref<128xi32, #tpu.memory_space<vmem>>
      %dma_start3A_46 = arith.constant 0 : i32
      %dma_start3A_47 = arith.constant 0 : i32
      %dma_start3A_48 = tpu.memref_slice %arg4[%dma_start3A_46, %dma_start3A_47] : memref<10112x128xf32, #tpu.memory_space<hbm>> -> memref<10112x128xf32, #tpu.memory_space<hbm>>
      tpu.enqueue_indirect_dma source(%dma_start3A_48 : memref<10112x128xf32, #tpu.memory_space<hbm>>) target(%arg10 : memref<128x128xf32, #tpu.memory_space<vmem>>) offsets(%dma_start3A_45 : memref<128xi32, #tpu.memory_space<vmem>>) semaphore(%arg13 : memref<!tpu.dma_semaphore, #tpu.memory_space<semaphore_mem>>)
      %mul3A_49 = arith.constant 128 : i32
      %mul3A_50 = arith.muli %add3A_35, %mul3A_49 : i32
      %dma_start3A_51 = arith.constant 0 : i32
      %dma_start3A_52 = tpu.memref_slice %arg3[%mul3A_50, %dma_start3A_51] : memref<323584x128xf32, #tpu.memory_space<hbm>> -> memref<128x128xf32, #tpu.memory_space<hbm>>
      %dma_start3A_53 = arith.constant 0 : i32
      %dma_start3A_54 = tpu.memref_slice %arg3[%mul3A_50, %dma_start3A_53] : memref<323584x128xf32, #tpu.memory_space<hbm>> -> memref<128x128xf32, #tpu.memory_space<hbm>>
      tpu.enqueue_dma source(%dma_start3A_54 : memref<128x128xf32, #tpu.memory_space<hbm>>) target(%arg9 : memref<128x128xf32, #tpu.memory_space<vmem>>) target_semaphore(%arg12 : memref<!tpu.dma_semaphore, #tpu.memory_space<semaphore_mem>>)
      %dma_wait3A = arith.constant 0 : i32
      %dma_wait3A_55 = arith.constant 0 : i32
      %dma_wait3A_56 = tpu.memref_slice %arg7[%dma_wait3A, %dma_wait3A_55] : memref<2x128xi32, #tpu.memory_space<vmem>> -> memref<1x128xi32, #tpu.memory_space<vmem>>
      %dma_wait3A_57 = tpu.memref_squeeze %dma_wait3A_56 : memref<1x128xi32, #tpu.memory_space<vmem>> -> memref<128xi32, #tpu.memory_space<vmem>>
      %dma_wait3A_58 = arith.constant 0 : i32
      %dma_wait3A_59 = arith.constant 0 : i32
      %dma_wait3A_60 = tpu.memref_slice %arg2[%dma_wait3A_58, %dma_wait3A_59] : memref<10112x128xf32, #tpu.memory_space<hbm>> -> memref<10112x128xf32, #tpu.memory_space<hbm>>
      tpu.wait_indirect_dma semaphore(%arg11 : memref<!tpu.dma_semaphore, #tpu.memory_space<semaphore_mem>>) src(%dma_wait3A_60 : memref<10112x128xf32, #tpu.memory_space<hbm>>) dst(%arg8 : memref<128x128xf32, #tpu.memory_space<vmem>>)
      %dma_wait3A_61 = arith.constant 0 : i32
      %dma_wait3A_62 = arith.constant 0 : i32
      %dma_wait3A_63 = tpu.memref_slice %arg7[%dma_wait3A_61, %dma_wait3A_62] : memref<2x128xi32, #tpu.memory_space<vmem>> -> memref<1x128xi32, #tpu.memory_space<vmem>>
      %dma_wait3A_64 = tpu.memref_squeeze %dma_wait3A_63 : memref<1x128xi32, #tpu.memory_space<vmem>> -> memref<128xi32, #tpu.memory_space<vmem>>
      %dma_wait3A_65 = arith.constant 0 : i32
      %dma_wait3A_66 = arith.constant 0 : i32
      %dma_wait3A_67 = tpu.memref_slice %arg4[%dma_wait3A_65, %dma_wait3A_66] : memref<10112x128xf32, #tpu.memory_space<hbm>> -> memref<10112x128xf32, #tpu.memory_space<hbm>>
      tpu.wait_indirect_dma semaphore(%arg13 : memref<!tpu.dma_semaphore, #tpu.memory_space<semaphore_mem>>) src(%dma_wait3A_67 : memref<10112x128xf32, #tpu.memory_space<hbm>>) dst(%arg10 : memref<128x128xf32, #tpu.memory_space<vmem>>)
      %mul3A_68 = arith.constant 128 : i32
      %mul3A_69 = arith.muli %add3A_35, %mul3A_68 : i32
      %dma_wait3A_70 = arith.constant 0 : i32
      %dma_wait3A_71 = tpu.memref_slice %arg3[%mul3A_69, %dma_wait3A_70] : memref<323584x128xf32, #tpu.memory_space<hbm>> -> memref<128x128xf32, #tpu.memory_space<hbm>>
      %dma_wait3A_72 = arith.constant 0 : i32
      %dma_wait3A_73 = tpu.memref_slice %arg3[%mul3A_69, %dma_wait3A_72] : memref<323584x128xf32, #tpu.memory_space<hbm>> -> memref<128x128xf32, #tpu.memory_space<hbm>>
      tpu.wait_dma2 semaphore(%arg12 : memref<!tpu.dma_semaphore, #tpu.memory_space<semaphore_mem>>) src(%dma_wait3A_73 : memref<128x128xf32, #tpu.memory_space<hbm>>) dst(%arg9 : memref<128x128xf32, #tpu.memory_space<vmem>>)
      %scan3A_74 = arith.constant 0 : i32
      %scan3A_75 = arith.constant 0 : i32
      %scan3A_76 = arith.constant 128 : i32
      %scan3A_77 = arith.addi %scan3A_75, %scan3A_76 : i32
      %scan3A_78 = arith.constant 1 : i32
      %scan3A_79 = scf.for %scan3A_82 = %scan3A_75 to %scan3A_77 step %scan3A_78 iter_args(%scan3A_83 = %scan3A_74) -> (i32)  : i32 {
        %get3A = arith.index_cast %scan3A_82 : i32 to index
        %get3A_84 = arith.constant 0 : index
        %get3A_85 = tpu.vector_load %arg10[%get3A, %get3A_84] {strides = array<i32>} : memref<128x128xf32, #tpu.memory_space<vmem>>, vector<1x16xf32>,
        %get3A_86 = vector.shape_cast %get3A_85 : vector<1x16xf32> to vector<16xf32>
        %get3A_87 = arith.index_cast %scan3A_82 : i32 to index
        %get3A_88 = arith.constant 0 : index
        %get3A_89 = tpu.vector_load %arg8[%get3A_87, %get3A_88] {strides = array<i32>} : memref<128x128xf32, #tpu.memory_space<vmem>>, vector<1x16xf32>,
        %get3A_90 = vector.shape_cast %get3A_89 : vector<1x16xf32> to vector<16xf32>
        %get3A_91 = arith.index_cast %scan3A_82 : i32 to index
        %get3A_92 = arith.constant 0 : index
        %get3A_93 = tpu.vector_load %arg9[%get3A_91, %get3A_92] {strides = array<i32>} : memref<128x128xf32, #tpu.memory_space<vmem>>, vector<1x16xf32>,
        %get3A_94 = vector.shape_cast %get3A_93 : vector<1x16xf32> to vector<16xf32>
        %add3A_95 = arith.addf %get3A_90, %get3A_94 : vector<16xf32>
        %max3A = arith.constant 0.000000e+00 : f32
        %max3A_96 = vector.broadcast %max3A : f32 to vector<16xf32>
        %max3A_97 = arith.maximumf %add3A_95, %max3A_96 : vector<16xf32>
        %mul3A_98 = arith.mulf %max3A_97, %get3A_86 : vector<16xf32>
        %swap3A = arith.index_cast %scan3A_82 : i32 to index
        %swap3A_99 = arith.constant 0 : index
        %swap3A_100 = tpu.vector_load %arg8[%swap3A, %swap3A_99] {strides = array<i32>} : memref<128x128xf32, #tpu.memory_space<vmem>>, vector<1x16xf32>,
        %swap3A_101 = vector.shape_cast %swap3A_100 : vector<1x16xf32> to vector<16xf32>
        %swap3A_102 = vector.shape_cast %mul3A_98 : vector<16xf32> to vector<1x16xf32>
        tpu.vector_store %arg8[%swap3A, %swap3A_99], %swap3A_102 {strides = array<i32>} : memref<128x128xf32, #tpu.memory_space<vmem>>, vector<1x16xf32>,
        %get3A_103 = arith.index_cast %scan3A_82 : i32 to index
        %get3A_104 = arith.constant 16 : index
        %get3A_105 = tpu.vector_load %arg8[%get3A_103, %get3A_104] {strides = array<i32>} : memref<128x128xf32, #tpu.memory_space<vmem>>, vector<1x16xf32>,
        %get3A_106 = vector.shape_cast %get3A_105 : vector<1x16xf32> to vector<16xf32>
        %get3A_107 = arith.index_cast %scan3A_82 : i32 to index
        %get3A_108 = arith.constant 16 : index
        %get3A_109 = tpu.vector_load %arg9[%get3A_107, %get3A_108] {strides = array<i32>} : memref<128x128xf32, #tpu.memory_space<vmem>>, vector<1x16xf32>,
        %get3A_110 = vector.shape_cast %get3A_109 : vector<1x16xf32> to vector<16xf32>
        %add3A_111 = arith.addf %get3A_106, %get3A_110 : vector<16xf32>
        %max3A_112 = arith.constant 0.000000e+00 : f32
        %max3A_113 = vector.broadcast %max3A_112 : f32 to vector<16xf32>
        %max3A_114 = arith.maximumf %add3A_111, %max3A_113 : vector<16xf32>
        %mul3A_115 = arith.mulf %max3A_114, %get3A_86 : vector<16xf32>
        %swap3A_116 = arith.index_cast %scan3A_82 : i32 to index
        %swap3A_117 = arith.constant 16 : index
        %swap3A_118 = tpu.vector_load %arg8[%swap3A_116, %swap3A_117] {strides = array<i32>} : memref<128x128xf32, #tpu.memory_space<vmem>>, vector<1x16xf32>,
        %swap3A_119 = vector.shape_cast %swap3A_118 : vector<1x16xf32> to vector<16xf32>
        %swap3A_120 = vector.shape_cast %mul3A_115 : vector<16xf32> to vector<1x16xf32>
        tpu.vector_store %arg8[%swap3A_116, %swap3A_117], %swap3A_120 {strides = array<i32>} : memref<128x128xf32, #tpu.memory_space<vmem>>, vector<1x16xf32>,
        %get3A_121 = arith.index_cast %scan3A_82 : i32 to index
        %get3A_122 = arith.constant 32 : index
        %get3A_123 = tpu.vector_load %arg8[%get3A_121, %get3A_122] {strides = array<i32>} : memref<128x128xf32, #tpu.memory_space<vmem>>, vector<1x16xf32>,
        %get3A_124 = vector.shape_cast %get3A_123 : vector<1x16xf32> to vector<16xf32>
        %get3A_125 = arith.index_cast %scan3A_82 : i32 to index
        %get3A_126 = arith.constant 32 : index
        %get3A_127 = tpu.vector_load %arg9[%get3A_125, %get3A_126] {strides = array<i32>} : memref<128x128xf32, #tpu.memory_space<vmem>>, vector<1x16xf32>,
        %get3A_128 = vector.shape_cast %get3A_127 : vector<1x16xf32> to vector<16xf32>
        %add3A_129 = arith.addf %get3A_124, %get3A_128 : vector<16xf32>
        %max3A_130 = arith.constant 0.000000e+00 : f32
        %max3A_131 = vector.broadcast %max3A_130 : f32 to vector<16xf32>
        %max3A_132 = arith.maximumf %add3A_129, %max3A_131 : vector<16xf32>
        %mul3A_133 = arith.mulf %max3A_132, %get3A_86 : vector<16xf32>
        %swap3A_134 = arith.index_cast %scan3A_82 : i32 to index
        %swap3A_135 = arith.constant 32 : index
        %swap3A_136 = tpu.vector_load %arg8[%swap3A_134, %swap3A_135] {strides = array<i32>} : memref<128x128xf32, #tpu.memory_space<vmem>>, vector<1x16xf32>,
        %swap3A_137 = vector.shape_cast %swap3A_136 : vector<1x16xf32> to vector<16xf32>
        %swap3A_138 = vector.shape_cast %mul3A_133 : vector<16xf32> to vector<1x16xf32>
        tpu.vector_store %arg8[%swap3A_134, %swap3A_135], %swap3A_138 {strides = array<i32>} : memref<128x128xf32, #tpu.memory_space<vmem>>, vector<1x16xf32>,
        %get3A_139 = arith.index_cast %scan3A_82 : i32 to index
        %get3A_140 = arith.constant 48 : index
        %get3A_141 = tpu.vector_load %arg8[%get3A_139, %get3A_140] {strides = array<i32>} : memref<128x128xf32, #tpu.memory_space<vmem>>, vector<1x16xf32>,
        %get3A_142 = vector.shape_cast %get3A_141 : vector<1x16xf32> to vector<16xf32>
        %get3A_143 = arith.index_cast %scan3A_82 : i32 to index
        %get3A_144 = arith.constant 48 : index
        %get3A_145 = tpu.vector_load %arg9[%get3A_143, %get3A_144] {strides = array<i32>} : memref<128x128xf32, #tpu.memory_space<vmem>>, vector<1x16xf32>,
        %get3A_146 = vector.shape_cast %get3A_145 : vector<1x16xf32> to vector<16xf32>
        %add3A_147 = arith.addf %get3A_142, %get3A_146 : vector<16xf32>
        %max3A_148 = arith.constant 0.000000e+00 : f32
        %max3A_149 = vector.broadcast %max3A_148 : f32 to vector<16xf32>
        %max3A_150 = arith.maximumf %add3A_147, %max3A_149 : vector<16xf32>
        %mul3A_151 = arith.mulf %max3A_150, %get3A_86 : vector<16xf32>
        %swap3A_152 = arith.index_cast %scan3A_82 : i32 to index
        %swap3A_153 = arith.constant 48 : index
        %swap3A_154 = tpu.vector_load %arg8[%swap3A_152, %swap3A_153] {strides = array<i32>} : memref<128x128xf32, #tpu.memory_space<vmem>>, vector<1x16xf32>,
        %swap3A_155 = vector.shape_cast %swap3A_154 : vector<1x16xf32> to vector<16xf32>
        %swap3A_156 = vector.shape_cast %mul3A_151 : vector<16xf32> to vector<1x16xf32>
        tpu.vector_store %arg8[%swap3A_152, %swap3A_153], %swap3A_156 {strides = array<i32>} : memref<128x128xf32, #tpu.memory_space<vmem>>, vector<1x16xf32>,
        %get3A_157 = arith.index_cast %scan3A_82 : i32 to index
        %get3A_158 = arith.constant 64 : index
        %get3A_159 = tpu.vector_load %arg8[%get3A_157, %get3A_158] {strides = array<i32>} : memref<128x128xf32, #tpu.memory_space<vmem>>, vector<1x16xf32>,
        %get3A_160 = vector.shape_cast %get3A_159 : vector<1x16xf32> to vector<16xf32>
        %get3A_161 = arith.index_cast %scan3A_82 : i32 to index
        %get3A_162 = arith.constant 64 : index
        %get3A_163 = tpu.vector_load %arg9[%get3A_161, %get3A_162] {strides = array<i32>} : memref<128x128xf32, #tpu.memory_space<vmem>>, vector<1x16xf32>,
        %get3A_164 = vector.shape_cast %get3A_163 : vector<1x16xf32> to vector<16xf32>
        %add3A_165 = arith.addf %get3A_160, %get3A_164 : vector<16xf32>
        %max3A_166 = arith.constant 0.000000e+00 : f32
        %max3A_167 = vector.broadcast %max3A_166 : f32 to vector<16xf32>
        %max3A_168 = arith.maximumf %add3A_165, %max3A_167 : vector<16xf32>
        %mul3A_169 = arith.mulf %max3A_168, %get3A_86 : vector<16xf32>
        %swap3A_170 = arith.index_cast %scan3A_82 : i32 to index
        %swap3A_171 = arith.constant 64 : index
        %swap3A_172 = tpu.vector_load %arg8[%swap3A_170, %swap3A_171] {strides = array<i32>} : memref<128x128xf32, #tpu.memory_space<vmem>>, vector<1x16xf32>,
        %swap3A_173 = vector.shape_cast %swap3A_172 : vector<1x16xf32> to vector<16xf32>
        %swap3A_174 = vector.shape_cast %mul3A_169 : vector<16xf32> to vector<1x16xf32>
        tpu.vector_store %arg8[%swap3A_170, %swap3A_171], %swap3A_174 {strides = array<i32>} : memref<128x128xf32, #tpu.memory_space<vmem>>, vector<1x16xf32>,
        %get3A_175 = arith.index_cast %scan3A_82 : i32 to index
        %get3A_176 = arith.constant 80 : index
        %get3A_177 = tpu.vector_load %arg8[%get3A_175, %get3A_176] {strides = array<i32>} : memref<128x128xf32, #tpu.memory_space<vmem>>, vector<1x16xf32>,
        %get3A_178 = vector.shape_cast %get3A_177 : vector<1x16xf32> to vector<16xf32>
        %get3A_179 = arith.index_cast %scan3A_82 : i32 to index
        %get3A_180 = arith.constant 80 : index
        %get3A_181 = tpu.vector_load %arg9[%get3A_179, %get3A_180] {strides = array<i32>} : memref<128x128xf32, #tpu.memory_space<vmem>>, vector<1x16xf32>,
        %get3A_182 = vector.shape_cast %get3A_181 : vector<1x16xf32> to vector<16xf32>
        %add3A_183 = arith.addf %get3A_178, %get3A_182 : vector<16xf32>
        %max3A_184 = arith.constant 0.000000e+00 : f32
        %max3A_185 = vector.broadcast %max3A_184 : f32 to vector<16xf32>
        %max3A_186 = arith.maximumf %add3A_183, %max3A_185 : vector<16xf32>
        %mul3A_187 = arith.mulf %max3A_186, %get3A_86 : vector<16xf32>
        %swap3A_188 = arith.index_cast %scan3A_82 : i32 to index
        %swap3A_189 = arith.constant 80 : index
        %swap3A_190 = tpu.vector_load %arg8[%swap3A_188, %swap3A_189] {strides = array<i32>} : memref<128x128xf32, #tpu.memory_space<vmem>>, vector<1x16xf32>,
        %swap3A_191 = vector.shape_cast %swap3A_190 : vector<1x16xf32> to vector<16xf32>
        %swap3A_192 = vector.shape_cast %mul3A_187 : vector<16xf32> to vector<1x16xf32>
        tpu.vector_store %arg8[%swap3A_188, %swap3A_189], %swap3A_192 {strides = array<i32>} : memref<128x128xf32, #tpu.memory_space<vmem>>, vector<1x16xf32>,
        %get3A_193 = arith.index_cast %scan3A_82 : i32 to index
        %get3A_194 = arith.constant 96 : index
        %get3A_195 = tpu.vector_load %arg8[%get3A_193, %get3A_194] {strides = array<i32>} : memref<128x128xf32, #tpu.memory_space<vmem>>, vector<1x16xf32>,
        %get3A_196 = vector.shape_cast %get3A_195 : vector<1x16xf32> to vector<16xf32>
        %get3A_197 = arith.index_cast %scan3A_82 : i32 to index
        %get3A_198 = arith.constant 96 : index
        %get3A_199 = tpu.vector_load %arg9[%get3A_197, %get3A_198] {strides = array<i32>} : memref<128x128xf32, #tpu.memory_space<vmem>>, vector<1x16xf32>,
        %get3A_200 = vector.shape_cast %get3A_199 : vector<1x16xf32> to vector<16xf32>
        %add3A_201 = arith.addf %get3A_196, %get3A_200 : vector<16xf32>
        %max3A_202 = arith.constant 0.000000e+00 : f32
        %max3A_203 = vector.broadcast %max3A_202 : f32 to vector<16xf32>
        %max3A_204 = arith.maximumf %add3A_201, %max3A_203 : vector<16xf32>
        %mul3A_205 = arith.mulf %max3A_204, %get3A_86 : vector<16xf32>
        %swap3A_206 = arith.index_cast %scan3A_82 : i32 to index
        %swap3A_207 = arith.constant 96 : index
        %swap3A_208 = tpu.vector_load %arg8[%swap3A_206, %swap3A_207] {strides = array<i32>} : memref<128x128xf32, #tpu.memory_space<vmem>>, vector<1x16xf32>,
        %swap3A_209 = vector.shape_cast %swap3A_208 : vector<1x16xf32> to vector<16xf32>
        %swap3A_210 = vector.shape_cast %mul3A_205 : vector<16xf32> to vector<1x16xf32>
        tpu.vector_store %arg8[%swap3A_206, %swap3A_207], %swap3A_210 {strides = array<i32>} : memref<128x128xf32, #tpu.memory_space<vmem>>, vector<1x16xf32>,
        %get3A_211 = arith.index_cast %scan3A_82 : i32 to index
        %get3A_212 = arith.constant 112 : index
        %get3A_213 = tpu.vector_load %arg8[%get3A_211, %get3A_212] {strides = array<i32>} : memref<128x128xf32, #tpu.memory_space<vmem>>, vector<1x16xf32>,
        %get3A_214 = vector.shape_cast %get3A_213 : vector<1x16xf32> to vector<16xf32>
        %get3A_215 = arith.index_cast %scan3A_82 : i32 to index
        %get3A_216 = arith.constant 112 : index
        %get3A_217 = tpu.vector_load %arg9[%get3A_215, %get3A_216] {strides = array<i32>} : memref<128x128xf32, #tpu.memory_space<vmem>>, vector<1x16xf32>,
        %get3A_218 = vector.shape_cast %get3A_217 : vector<1x16xf32> to vector<16xf32>
        %add3A_219 = arith.addf %get3A_214, %get3A_218 : vector<16xf32>
        %max3A_220 = arith.constant 0.000000e+00 : f32
        %max3A_221 = vector.broadcast %max3A_220 : f32 to vector<16xf32>
        %max3A_222 = arith.maximumf %add3A_219, %max3A_221 : vector<16xf32>
        %mul3A_223 = arith.mulf %max3A_222, %get3A_86 : vector<16xf32>
        %swap3A_224 = arith.index_cast %scan3A_82 : i32 to index
        %swap3A_225 = arith.constant 112 : index
        %swap3A_226 = tpu.vector_load %arg8[%swap3A_224, %swap3A_225] {strides = array<i32>} : memref<128x128xf32, #tpu.memory_space<vmem>>, vector<1x16xf32>,
        %swap3A_227 = vector.shape_cast %swap3A_226 : vector<1x16xf32> to vector<16xf32>
        %swap3A_228 = vector.shape_cast %mul3A_223 : vector<16xf32> to vector<1x16xf32>
        tpu.vector_store %arg8[%swap3A_224, %swap3A_225], %swap3A_228 {strides = array<i32>} : memref<128x128xf32, #tpu.memory_space<vmem>>, vector<1x16xf32>,
        %scan3A_229 = arith.constant 0 : i32
        scf.yield %scan3A_229 : i32
      }
      %scan3A_80 = arith.constant 128 : i32
      %run_scoped3A = arith.constant 1 : i32
      "tpu.region"() ({
        %run_scoped3A_82 = tpu.sem_alloc : memref<!tpu.dma_semaphore, #tpu.memory_space<semaphore_mem>>
        %dma_start3A_83 = arith.constant 0 : i32
        %dma_start3A_84 = tpu.memref_slice %arg7[%run_scoped3A, %dma_start3A_83] : memref<2x128xi32, #tpu.memory_space<vmem>> -> memref<1x128xi32, #tpu.memory_space<vmem>>
        %dma_start3A_85 = tpu.memref_squeeze %dma_start3A_84 : memref<1x128xi32, #tpu.memory_space<vmem>> -> memref<128xi32, #tpu.memory_space<vmem>>
        %dma_start3A_86 = arith.constant 0 : i32
        %dma_start3A_87 = arith.constant 0 : i32
        %dma_start3A_88 = tpu.memref_slice %arg14[%dma_start3A_86, %dma_start3A_87] : memref<10112x128xf32, #tpu.memory_space<vmem_shared>> -> memref<10112x128xf32, #tpu.memory_space<vmem_shared>>
        tpu.enqueue_indirect_dma source(%arg8 : memref<128x128xf32, #tpu.memory_space<vmem>>) target(%dma_start3A_88 : memref<10112x128xf32, #tpu.memory_space<vmem_shared>>) offsets(%dma_start3A_85 : memref<128xi32, #tpu.memory_space<vmem>>) semaphore(%run_scoped3A_82 : memref<!tpu.dma_semaphore, #tpu.memory_space<semaphore_mem>>) {add = true}
        %dma_wait3A_89 = arith.constant 0 : i32
        %dma_wait3A_90 = tpu.memref_slice %arg7[%run_scoped3A, %dma_wait3A_89] : memref<2x128xi32, #tpu.memory_space<vmem>> -> memref<1x128xi32, #tpu.memory_space<vmem>>
        %dma_wait3A_91 = tpu.memref_squeeze %dma_wait3A_90 : memref<1x128xi32, #tpu.memory_space<vmem>> -> memref<128xi32, #tpu.memory_space<vmem>>
        %dma_wait3A_92 = arith.constant 0 : i32
        %dma_wait3A_93 = arith.constant 0 : i32
        %dma_wait3A_94 = tpu.memref_slice %arg14[%dma_wait3A_92, %dma_wait3A_93] : memref<10112x128xf32, #tpu.memory_space<vmem_shared>> -> memref<10112x128xf32, #tpu.memory_space<vmem_shared>>
        tpu.wait_indirect_dma semaphore(%run_scoped3A_82 : memref<!tpu.dma_semaphore, #tpu.memory_space<semaphore_mem>>) src(%arg8 : memref<128x128xf32, #tpu.memory_space<vmem>>) dst(%dma_wait3A_94 : memref<10112x128xf32, #tpu.memory_space<vmem_shared>>)
        tpu.yield
      }) : () -> ()
      %scan3A_81 = arith.constant 0 : i32
      scf.yield %scan3A_81 : i32
    }
    %scan3A_27 = arith.constant 79 : i32
    %barrier3A_28 = arith.constant 0 : index
    tpu.barrier barrier_id(%barrier3A_28)
    %mul3A_29 = arith.constant 632 : i32
    %mul3A_30 = arith.muli %arg1, %mul3A_29 : i32
    %mul3A_31 = arith.constant 632 : i32
    %mul3A_32 = arith.muli %arg1, %mul3A_31 : i32
    "tpu.region"() ({
      %run_scoped3A = tpu.sem_alloc : memref<!tpu.dma_semaphore, #tpu.memory_space<semaphore_mem>>
      %dma_start3A = arith.constant 0 : i32
      %dma_start3A_33 = arith.constant 0 : i32
      %dma_start3A_34 = tpu.memref_slice %arg6[%arg0, %dma_start3A, %dma_start3A_33] : memref<2x10112x128xf32, #tpu.memory_space<hbm>> -> memref<1x10112x128xf32, #tpu.memory_space<hbm>>
      %dma_start3A_35 = tpu.memref_squeeze %dma_start3A_34 : memref<1x10112x128xf32, #tpu.memory_space<hbm>> -> memref<10112x128xf32, #tpu.memory_space<hbm>>
      %dma_start3A_36 = arith.constant 0 : i32
      %dma_start3A_37 = tpu.memref_slice %dma_start3A_35[%mul3A_32, %dma_start3A_36] : memref<10112x128xf32, #tpu.memory_space<hbm>> -> memref<632x128xf32, #tpu.memory_space<hbm>>
      %dma_start3A_38 = arith.constant 0 : i32
      %dma_start3A_39 = tpu.memref_slice %arg14[%mul3A_30, %dma_start3A_38] : memref<10112x128xf32, #tpu.memory_space<vmem_shared>> -> memref<632x128xf32, #tpu.memory_space<vmem_shared>>
      tpu.enqueue_dma source(%dma_start3A_39 : memref<632x128xf32, #tpu.memory_space<vmem_shared>>) target(%dma_start3A_37 : memref<632x128xf32, #tpu.memory_space<hbm>>) target_semaphore(%run_scoped3A : memref<!tpu.dma_semaphore, #tpu.memory_space<semaphore_mem>>)
      %dma_wait3A = arith.constant 0 : i32
      %dma_wait3A_40 = arith.constant 0 : i32
      %dma_wait3A_41 = tpu.memref_slice %arg6[%arg0, %dma_wait3A, %dma_wait3A_40] : memref<2x10112x128xf32, #tpu.memory_space<hbm>> -> memref<1x10112x128xf32, #tpu.memory_space<hbm>>
      %dma_wait3A_42 = tpu.memref_squeeze %dma_wait3A_41 : memref<1x10112x128xf32, #tpu.memory_space<hbm>> -> memref<10112x128xf32, #tpu.memory_space<hbm>>
      %dma_wait3A_43 = arith.constant 0 : i32
      %dma_wait3A_44 = tpu.memref_slice %dma_wait3A_42[%mul3A_32, %dma_wait3A_43] : memref<10112x128xf32, #tpu.memory_space<hbm>> -> memref<632x128xf32, #tpu.memory_space<hbm>>
      %dma_wait3A_45 = arith.constant 0 : i32
      %dma_wait3A_46 = tpu.memref_slice %arg14[%mul3A_30, %dma_wait3A_45] : memref<10112x128xf32, #tpu.memory_space<vmem_shared>> -> memref<632x128xf32, #tpu.memory_space<vmem_shared>>
      tpu.wait_dma2 semaphore(%run_scoped3A : memref<!tpu.dma_semaphore, #tpu.memory_space<semaphore_mem>>) src(%dma_wait3A_46 : memref<632x128xf32, #tpu.memory_space<vmem_shared>>) dst(%dma_wait3A_44 : memref<632x128xf32, #tpu.memory_space<hbm>>)
      tpu.yield
    }) : () -> ()
    return
  }
}

#map = affine_map<(d0, d1) -> (0, 0, 0)>
module attributes {stable_mosaic.version = 14 : i64} {
  func.func @k(%arg0: i32, %arg1: i32, %arg2: memref<2528x2x128xi32, #tpu.memory_space<hbm>>, %arg3: memref<2x10112x16xf32, #tpu.memory_space<hbm>>, %arg4: memref<2x2x128xi32, #tpu.memory_space<vmem>>, %arg5: memref<128x16xf32, #tpu.memory_space<vmem>>, %arg6: memref<10112x16xf32, #tpu.memory_space<vmem_shared>>, %arg7: memref<2x!tpu.dma_semaphore, #tpu.memory_space<semaphore_mem>>) attributes {dimension_semantics = [#tpu.dimension_semantics<core_parallel>, #tpu.dimension_semantics<subcore_parallel>], iteration_bounds = array<i64: 2, 16>, scalar_prefetch = 0 : i64, scratch_operands = 4 : i64, tpu.core_type = #tpu.core_type<sc_vector_subcore>, window_params = [{transform_indices = #map}, {transform_indices = #map}]} {
    %mul3A = arith.constant 16 : i32
    %mul3A_0 = arith.muli %arg0, %mul3A : i32
    %add3A = arith.addi %mul3A_0, %arg1 : i32
    %mul3A_1 = arith.constant 79 : i32
    %mul3A_2 = arith.muli %add3A, %mul3A_1 : i32
    %scan3A = arith.constant 0 : i32
    %scan3A_3 = arith.constant 0 : i32
    %scan3A_4 = arith.constant 128 : i32
    %scan3A_5 = arith.addi %scan3A_3, %scan3A_4 : i32
    %scan3A_6 = arith.constant 1 : i32
    %scan3A_7 = scf.for %scan3A_40 = %scan3A_3 to %scan3A_5 step %scan3A_6 iter_args(%scan3A_41 = %scan3A) -> (i32)  : i32 {
      %broadcast_in_dim3A = arith.constant 0.000000e+00 : f32
      %broadcast_in_dim3A_42 = vector.broadcast %broadcast_in_dim3A : f32 to vector<16xf32>
      %swap3A = arith.index_cast %scan3A_40 : i32 to index
      %swap3A_43 = arith.constant 0 : index
      %swap3A_44 = tpu.vector_load %arg5[%swap3A, %swap3A_43] {strides = array<i32>} : memref<128x16xf32, #tpu.memory_space<vmem>>, vector<1x16xf32>,
      %swap3A_45 = vector.shape_cast %swap3A_44 : vector<1x16xf32> to vector<16xf32>
      %swap3A_46 = vector.shape_cast %broadcast_in_dim3A_42 : vector<16xf32> to vector<1x16xf32>
      tpu.vector_store %arg5[%swap3A, %swap3A_43], %swap3A_46 {strides = array<i32>} : memref<128x16xf32, #tpu.memory_space<vmem>>, vector<1x16xf32>,
      %scan3A_47 = arith.constant 0 : i32
      scf.yield %scan3A_47 : i32
    }
    %scan3A_8 = arith.constant 128 : i32
    %mul3A_9 = arith.constant 632 : i32
    %mul3A_10 = arith.muli %arg1, %mul3A_9 : i32
    %add3A_11 = arith.constant 0 : i32
    %add3A_12 = arith.addi %mul3A_10, %add3A_11 : i32
    "tpu.region"() ({
      %run_scoped3A = tpu.sem_alloc : memref<!tpu.dma_semaphore, #tpu.memory_space<semaphore_mem>>
      %dma_start3A = arith.constant 0 : i32
      %dma_start3A_40 = tpu.memref_slice %arg6[%add3A_12, %dma_start3A] : memref<10112x16xf32, #tpu.memory_space<vmem_shared>> -> memref<128x16xf32, #tpu.memory_space<vmem_shared>>
      %dma_start3A_41 = arith.constant 0 : i32
      %dma_start3A_42 = tpu.memref_slice %arg6[%add3A_12, %dma_start3A_41] : memref<10112x16xf32, #tpu.memory_space<vmem_shared>> -> memref<128x16xf32, #tpu.memory_space<vmem_shared>>
      tpu.enqueue_dma source(%arg5 : memref<128x16xf32, #tpu.memory_space<vmem>>) target(%dma_start3A_42 : memref<128x16xf32, #tpu.memory_space<vmem_shared>>) target_semaphore(%run_scoped3A : memref<!tpu.dma_semaphore, #tpu.memory_space<semaphore_mem>>)
      %dma_wait3A = arith.constant 0 : i32
      %dma_wait3A_43 = tpu.memref_slice %arg6[%add3A_12, %dma_wait3A] : memref<10112x16xf32, #tpu.memory_space<vmem_shared>> -> memref<128x16xf32, #tpu.memory_space<vmem_shared>>
      %dma_wait3A_44 = arith.constant 0 : i32
      %dma_wait3A_45 = tpu.memref_slice %arg6[%add3A_12, %dma_wait3A_44] : memref<10112x16xf32, #tpu.memory_space<vmem_shared>> -> memref<128x16xf32, #tpu.memory_space<vmem_shared>>
      tpu.wait_dma2 semaphore(%run_scoped3A : memref<!tpu.dma_semaphore, #tpu.memory_space<semaphore_mem>>) src(%arg5 : memref<128x16xf32, #tpu.memory_space<vmem>>) dst(%dma_wait3A_45 : memref<128x16xf32, #tpu.memory_space<vmem_shared>>)
      tpu.yield
    }) : () -> ()
    %add3A_13 = arith.constant 128 : i32
    %add3A_14 = arith.addi %mul3A_10, %add3A_13 : i32
    "tpu.region"() ({
      %run_scoped3A = tpu.sem_alloc : memref<!tpu.dma_semaphore, #tpu.memory_space<semaphore_mem>>
      %dma_start3A = arith.constant 0 : i32
      %dma_start3A_40 = tpu.memref_slice %arg6[%add3A_14, %dma_start3A] : memref<10112x16xf32, #tpu.memory_space<vmem_shared>> -> memref<128x16xf32, #tpu.memory_space<vmem_shared>>
      %dma_start3A_41 = arith.constant 0 : i32
      %dma_start3A_42 = tpu.memref_slice %arg6[%add3A_14, %dma_start3A_41] : memref<10112x16xf32, #tpu.memory_space<vmem_shared>> -> memref<128x16xf32, #tpu.memory_space<vmem_shared>>
      tpu.enqueue_dma source(%arg5 : memref<128x16xf32, #tpu.memory_space<vmem>>) target(%dma_start3A_42 : memref<128x16xf32, #tpu.memory_space<vmem_shared>>) target_semaphore(%run_scoped3A : memref<!tpu.dma_semaphore, #tpu.memory_space<semaphore_mem>>)
      %dma_wait3A = arith.constant 0 : i32
      %dma_wait3A_43 = tpu.memref_slice %arg6[%add3A_14, %dma_wait3A] : memref<10112x16xf32, #tpu.memory_space<vmem_shared>> -> memref<128x16xf32, #tpu.memory_space<vmem_shared>>
      %dma_wait3A_44 = arith.constant 0 : i32
      %dma_wait3A_45 = tpu.memref_slice %arg6[%add3A_14, %dma_wait3A_44] : memref<10112x16xf32, #tpu.memory_space<vmem_shared>> -> memref<128x16xf32, #tpu.memory_space<vmem_shared>>
      tpu.wait_dma2 semaphore(%run_scoped3A : memref<!tpu.dma_semaphore, #tpu.memory_space<semaphore_mem>>) src(%arg5 : memref<128x16xf32, #tpu.memory_space<vmem>>) dst(%dma_wait3A_45 : memref<128x16xf32, #tpu.memory_space<vmem_shared>>)
      tpu.yield
    }) : () -> ()
    %add3A_15 = arith.constant 256 : i32
    %add3A_16 = arith.addi %mul3A_10, %add3A_15 : i32
    "tpu.region"() ({
      %run_scoped3A = tpu.sem_alloc : memref<!tpu.dma_semaphore, #tpu.memory_space<semaphore_mem>>
      %dma_start3A = arith.constant 0 : i32
      %dma_start3A_40 = tpu.memref_slice %arg6[%add3A_16, %dma_start3A] : memref<10112x16xf32, #tpu.memory_space<vmem_shared>> -> memref<128x16xf32, #tpu.memory_space<vmem_shared>>
      %dma_start3A_41 = arith.constant 0 : i32
      %dma_start3A_42 = tpu.memref_slice %arg6[%add3A_16, %dma_start3A_41] : memref<10112x16xf32, #tpu.memory_space<vmem_shared>> -> memref<128x16xf32, #tpu.memory_space<vmem_shared>>
      tpu.enqueue_dma source(%arg5 : memref<128x16xf32, #tpu.memory_space<vmem>>) target(%dma_start3A_42 : memref<128x16xf32, #tpu.memory_space<vmem_shared>>) target_semaphore(%run_scoped3A : memref<!tpu.dma_semaphore, #tpu.memory_space<semaphore_mem>>)
      %dma_wait3A = arith.constant 0 : i32
      %dma_wait3A_43 = tpu.memref_slice %arg6[%add3A_16, %dma_wait3A] : memref<10112x16xf32, #tpu.memory_space<vmem_shared>> -> memref<128x16xf32, #tpu.memory_space<vmem_shared>>
      %dma_wait3A_44 = arith.constant 0 : i32
      %dma_wait3A_45 = tpu.memref_slice %arg6[%add3A_16, %dma_wait3A_44] : memref<10112x16xf32, #tpu.memory_space<vmem_shared>> -> memref<128x16xf32, #tpu.memory_space<vmem_shared>>
      tpu.wait_dma2 semaphore(%run_scoped3A : memref<!tpu.dma_semaphore, #tpu.memory_space<semaphore_mem>>) src(%arg5 : memref<128x16xf32, #tpu.memory_space<vmem>>) dst(%dma_wait3A_45 : memref<128x16xf32, #tpu.memory_space<vmem_shared>>)
      tpu.yield
    }) : () -> ()
    %add3A_17 = arith.constant 384 : i32
    %add3A_18 = arith.addi %mul3A_10, %add3A_17 : i32
    "tpu.region"() ({
      %run_scoped3A = tpu.sem_alloc : memref<!tpu.dma_semaphore, #tpu.memory_space<semaphore_mem>>
      %dma_start3A = arith.constant 0 : i32
      %dma_start3A_40 = tpu.memref_slice %arg6[%add3A_18, %dma_start3A] : memref<10112x16xf32, #tpu.memory_space<vmem_shared>> -> memref<128x16xf32, #tpu.memory_space<vmem_shared>>
      %dma_start3A_41 = arith.constant 0 : i32
      %dma_start3A_42 = tpu.memref_slice %arg6[%add3A_18, %dma_start3A_41] : memref<10112x16xf32, #tpu.memory_space<vmem_shared>> -> memref<128x16xf32, #tpu.memory_space<vmem_shared>>
      tpu.enqueue_dma source(%arg5 : memref<128x16xf32, #tpu.memory_space<vmem>>) target(%dma_start3A_42 : memref<128x16xf32, #tpu.memory_space<vmem_shared>>) target_semaphore(%run_scoped3A : memref<!tpu.dma_semaphore, #tpu.memory_space<semaphore_mem>>)
      %dma_wait3A = arith.constant 0 : i32
      %dma_wait3A_43 = tpu.memref_slice %arg6[%add3A_18, %dma_wait3A] : memref<10112x16xf32, #tpu.memory_space<vmem_shared>> -> memref<128x16xf32, #tpu.memory_space<vmem_shared>>
      %dma_wait3A_44 = arith.constant 0 : i32
      %dma_wait3A_45 = tpu.memref_slice %arg6[%add3A_18, %dma_wait3A_44] : memref<10112x16xf32, #tpu.memory_space<vmem_shared>> -> memref<128x16xf32, #tpu.memory_space<vmem_shared>>
      tpu.wait_dma2 semaphore(%run_scoped3A : memref<!tpu.dma_semaphore, #tpu.memory_space<semaphore_mem>>) src(%arg5 : memref<128x16xf32, #tpu.memory_space<vmem>>) dst(%dma_wait3A_45 : memref<128x16xf32, #tpu.memory_space<vmem_shared>>)
      tpu.yield
    }) : () -> ()
    %add3A_19 = arith.constant 512 : i32
    %add3A_20 = arith.addi %mul3A_10, %add3A_19 : i32
    "tpu.region"() ({
      %run_scoped3A = tpu.sem_alloc : memref<!tpu.dma_semaphore, #tpu.memory_space<semaphore_mem>>
      %dma_start3A = arith.constant 0 : i32
      %dma_start3A_40 = arith.constant 0 : i32
      %dma_start3A_41 = tpu.memref_slice %arg5[%dma_start3A, %dma_start3A_40] : memref<128x16xf32, #tpu.memory_space<vmem>> -> memref<120x16xf32, #tpu.memory_space<vmem>>
      %dma_start3A_42 = arith.constant 0 : i32
      %dma_start3A_43 = tpu.memref_slice %arg6[%add3A_20, %dma_start3A_42] : memref<10112x16xf32, #tpu.memory_space<vmem_shared>> -> memref<120x16xf32, #tpu.memory_space<vmem_shared>>
      %dma_start3A_44 = arith.constant 0 : i32
      %dma_start3A_45 = tpu.memref_slice %arg6[%add3A_20, %dma_start3A_44] : memref<10112x16xf32, #tpu.memory_space<vmem_shared>> -> memref<120x16xf32, #tpu.memory_space<vmem_shared>>
      %dma_start3A_46 = arith.constant 0 : i32
      %dma_start3A_47 = arith.constant 0 : i32
      %dma_start3A_48 = tpu.memref_slice %arg5[%dma_start3A_46, %dma_start3A_47] : memref<128x16xf32, #tpu.memory_space<vmem>> -> memref<120x16xf32, #tpu.memory_space<vmem>>
      tpu.enqueue_dma source(%dma_start3A_48 : memref<120x16xf32, #tpu.memory_space<vmem>>) target(%dma_start3A_45 : memref<120x16xf32, #tpu.memory_space<vmem_shared>>) target_semaphore(%run_scoped3A : memref<!tpu.dma_semaphore, #tpu.memory_space<semaphore_mem>>)
      %dma_wait3A = arith.constant 0 : i32
      %dma_wait3A_49 = arith.constant 0 : i32
      %dma_wait3A_50 = tpu.memref_slice %arg5[%dma_wait3A, %dma_wait3A_49] : memref<128x16xf32, #tpu.memory_space<vmem>> -> memref<120x16xf32, #tpu.memory_space<vmem>>
      %dma_wait3A_51 = arith.constant 0 : i32
      %dma_wait3A_52 = tpu.memref_slice %arg6[%add3A_20, %dma_wait3A_51] : memref<10112x16xf32, #tpu.memory_space<vmem_shared>> -> memref<120x16xf32, #tpu.memory_space<vmem_shared>>
      %dma_wait3A_53 = arith.constant 0 : i32
      %dma_wait3A_54 = tpu.memref_slice %arg6[%add3A_20, %dma_wait3A_53] : memref<10112x16xf32, #tpu.memory_space<vmem_shared>> -> memref<120x16xf32, #tpu.memory_space<vmem_shared>>
      %dma_wait3A_55 = arith.constant 0 : i32
      %dma_wait3A_56 = arith.constant 0 : i32
      %dma_wait3A_57 = tpu.memref_slice %arg5[%dma_wait3A_55, %dma_wait3A_56] : memref<128x16xf32, #tpu.memory_space<vmem>> -> memref<120x16xf32, #tpu.memory_space<vmem>>
      tpu.wait_dma2 semaphore(%run_scoped3A : memref<!tpu.dma_semaphore, #tpu.memory_space<semaphore_mem>>) src(%dma_wait3A_57 : memref<120x16xf32, #tpu.memory_space<vmem>>) dst(%dma_wait3A_54 : memref<120x16xf32, #tpu.memory_space<vmem_shared>>)
      tpu.yield
    }) : () -> ()
    %barrier3A = arith.constant 0 : index
    tpu.barrier barrier_id(%barrier3A)
    %scan3A_21 = arith.constant 0 : i32
    %scan3A_22 = arith.constant 0 : i32
    %scan3A_23 = arith.constant 128 : i32
    %scan3A_24 = arith.addi %scan3A_22, %scan3A_23 : i32
    %scan3A_25 = arith.constant 1 : i32
    %scan3A_26 = scf.for %scan3A_40 = %scan3A_22 to %scan3A_24 step %scan3A_25 iter_args(%scan3A_41 = %scan3A_21) -> (i32)  : i32 {
      %broadcast_in_dim3A = arith.constant 1.000000e+00 : f32
      %broadcast_in_dim3A_42 = vector.broadcast %broadcast_in_dim3A : f32 to vector<16xf32>
      %swap3A = arith.index_cast %scan3A_40 : i32 to index
      %swap3A_43 = arith.constant 0 : index
      %swap3A_44 = tpu.vector_load %arg5[%swap3A, %swap3A_43] {strides = array<i32>} : memref<128x16xf32, #tpu.memory_space<vmem>>, vector<1x16xf32>,
      %swap3A_45 = vector.shape_cast %swap3A_44 : vector<1x16xf32> to vector<16xf32>
      %swap3A_46 = vector.shape_cast %broadcast_in_dim3A_42 : vector<16xf32> to vector<1x16xf32>
      tpu.vector_store %arg5[%swap3A, %swap3A_43], %swap3A_46 {strides = array<i32>} : memref<128x16xf32, #tpu.memory_space<vmem>>, vector<1x16xf32>,
      %scan3A_47 = arith.constant 0 : i32
      scf.yield %scan3A_47 : i32
    }
    %scan3A_27 = arith.constant 128 : i32
    %scan3A_28 = arith.constant 0 : i32
    %scan3A_29 = arith.constant 0 : i32
    %scan3A_30 = arith.constant 80 : i32
    %scan3A_31 = arith.addi %scan3A_29, %scan3A_30 : i32
    %scan3A_32 = arith.constant 1 : i32
    %scan3A_33 = scf.for %scan3A_40 = %scan3A_29 to %scan3A_31 step %scan3A_32 iter_args(%scan3A_41 = %scan3A_28) -> (i32)  : i32 {
      %rem3A = arith.constant 2 : i32
      %rem3A_42 = arith.remsi %scan3A_40, %rem3A : i32
      %sub3A = arith.constant 1 : i32
      %sub3A_43 = arith.subi %sub3A, %rem3A_42 : i32
      %lt3A = arith.constant 79 : i32
      %lt3A_44 = arith.cmpi slt, %scan3A_40, %lt3A : i32
      %convert_element_type3A = arith.extui %lt3A_44 : i1 to i32
      %cond3A = arith.constant 0 : i32
      %cond3A_45 = arith.cmpi ne, %convert_element_type3A, %cond3A : i32
      scf.if %cond3A_45 {
        %add3A_51 = arith.addi %mul3A_2, %scan3A_40 : i32
        %dma_start3A = arith.constant 0 : i32
        %dma_start3A_52 = arith.constant 0 : i32
        %dma_start3A_53 = tpu.memref_slice %arg4[%rem3A_42, %dma_start3A, %dma_start3A_52] : memref<2x2x128xi32, #tpu.memory_space<vmem>> -> memref<1x2x128xi32, #tpu.memory_space<vmem>>
        %dma_start3A_54 = tpu.memref_squeeze %dma_start3A_53 : memref<1x2x128xi32, #tpu.memory_space<vmem>> -> memref<2x128xi32, #tpu.memory_space<vmem>>
        %dma_start3A_55 = arith.constant 0 : i32
        %dma_start3A_56 = arith.constant 0 : i32
        %dma_start3A_57 = tpu.memref_slice %arg2[%add3A_51, %dma_start3A_55, %dma_start3A_56] : memref<2528x2x128xi32, #tpu.memory_space<hbm>> -> memref<1x2x128xi32, #tpu.memory_space<hbm>>
        %dma_start3A_58 = tpu.memref_squeeze %dma_start3A_57 : memref<1x2x128xi32, #tpu.memory_space<hbm>> -> memref<2x128xi32, #tpu.memory_space<hbm>>
        %dma_start3A_59 = tpu.memref_slice %arg7[%rem3A_42] : memref<2x!tpu.dma_semaphore, #tpu.memory_space<semaphore_mem>> -> memref<1x!tpu.dma_semaphore, #tpu.memory_space<semaphore_mem>>
        %dma_start3A_60 = tpu.memref_squeeze %dma_start3A_59 : memref<1x!tpu.dma_semaphore, #tpu.memory_space<semaphore_mem>> -> memref<!tpu.dma_semaphore, #tpu.memory_space<semaphore_mem>>
        %dma_start3A_61 = arith.constant 0 : i32
        %dma_start3A_62 = arith.constant 0 : i32
        %dma_start3A_63 = tpu.memref_slice %arg4[%rem3A_42, %dma_start3A_61, %dma_start3A_62] : memref<2x2x128xi32, #tpu.memory_space<vmem>> -> memref<1x2x128xi32, #tpu.memory_space<vmem>>
        %dma_start3A_64 = tpu.memref_squeeze %dma_start3A_63 : memref<1x2x128xi32, #tpu.memory_space<vmem>> -> memref<2x128xi32, #tpu.memory_space<vmem>>
        %dma_start3A_65 = arith.constant 0 : i32
        %dma_start3A_66 = arith.constant 0 : i32
        %dma_start3A_67 = tpu.memref_slice %arg2[%add3A_51, %dma_start3A_65, %dma_start3A_66] : memref<2528x2x128xi32, #tpu.memory_space<hbm>> -> memref<1x2x128xi32, #tpu.memory_space<hbm>>
        %dma_start3A_68 = tpu.memref_squeeze %dma_start3A_67 : memref<1x2x128xi32, #tpu.memory_space<hbm>> -> memref<2x128xi32, #tpu.memory_space<hbm>>
        tpu.enqueue_dma source(%dma_start3A_68 : memref<2x128xi32, #tpu.memory_space<hbm>>) target(%dma_start3A_64 : memref<2x128xi32, #tpu.memory_space<vmem>>) target_semaphore(%dma_start3A_60 : memref<!tpu.dma_semaphore, #tpu.memory_space<semaphore_mem>>)
      } else {
      }
      %gt3A = arith.constant 0 : i32
      %gt3A_46 = arith.cmpi sgt, %scan3A_40, %gt3A : i32
      %convert_element_type3A_47 = arith.extui %gt3A_46 : i1 to i32
      %cond3A_48 = arith.constant 0 : i32
      %cond3A_49 = arith.cmpi ne, %convert_element_type3A_47, %cond3A_48 : i32
      scf.if %cond3A_49 {
        %add3A_51 = arith.addi %mul3A_2, %scan3A_40 : i32
        %sub3A_52 = arith.constant 1 : i32
        %sub3A_53 = arith.subi %add3A_51, %sub3A_52 : i32
        %dma_wait3A = arith.constant 0 : i32
        %dma_wait3A_54 = arith.constant 0 : i32
        %dma_wait3A_55 = tpu.memref_slice %arg4[%sub3A_43, %dma_wait3A, %dma_wait3A_54] : memref<2x2x128xi32, #tpu.memory_space<vmem>> -> memref<1x2x128xi32, #tpu.memory_space<vmem>>
        %dma_wait3A_56 = tpu.memref_squeeze %dma_wait3A_55 : memref<1x2x128xi32, #tpu.memory_space<vmem>> -> memref<2x128xi32, #tpu.memory_space<vmem>>
        %dma_wait3A_57 = arith.constant 0 : i32
        %dma_wait3A_58 = arith.constant 0 : i32
        %dma_wait3A_59 = tpu.memref_slice %arg2[%sub3A_53, %dma_wait3A_57, %dma_wait3A_58] : memref<2528x2x128xi32, #tpu.memory_space<hbm>> -> memref<1x2x128xi32, #tpu.memory_space<hbm>>
        %dma_wait3A_60 = tpu.memref_squeeze %dma_wait3A_59 : memref<1x2x128xi32, #tpu.memory_space<hbm>> -> memref<2x128xi32, #tpu.memory_space<hbm>>
        %dma_wait3A_61 = tpu.memref_slice %arg7[%sub3A_43] : memref<2x!tpu.dma_semaphore, #tpu.memory_space<semaphore_mem>> -> memref<1x!tpu.dma_semaphore, #tpu.memory_space<semaphore_mem>>
        %dma_wait3A_62 = tpu.memref_squeeze %dma_wait3A_61 : memref<1x!tpu.dma_semaphore, #tpu.memory_space<semaphore_mem>> -> memref<!tpu.dma_semaphore, #tpu.memory_space<semaphore_mem>>
        %dma_wait3A_63 = arith.constant 0 : i32
        %dma_wait3A_64 = arith.constant 0 : i32
        %dma_wait3A_65 = tpu.memref_slice %arg4[%sub3A_43, %dma_wait3A_63, %dma_wait3A_64] : memref<2x2x128xi32, #tpu.memory_space<vmem>> -> memref<1x2x128xi32, #tpu.memory_space<vmem>>
        %dma_wait3A_66 = tpu.memref_squeeze %dma_wait3A_65 : memref<1x2x128xi32, #tpu.memory_space<vmem>> -> memref<2x128xi32, #tpu.memory_space<vmem>>
        %dma_wait3A_67 = arith.constant 0 : i32
        %dma_wait3A_68 = arith.constant 0 : i32
        %dma_wait3A_69 = tpu.memref_slice %arg2[%sub3A_53, %dma_wait3A_67, %dma_wait3A_68] : memref<2528x2x128xi32, #tpu.memory_space<hbm>> -> memref<1x2x128xi32, #tpu.memory_space<hbm>>
        %dma_wait3A_70 = tpu.memref_squeeze %dma_wait3A_69 : memref<1x2x128xi32, #tpu.memory_space<hbm>> -> memref<2x128xi32, #tpu.memory_space<hbm>>
        tpu.wait_dma2 semaphore(%dma_wait3A_62 : memref<!tpu.dma_semaphore, #tpu.memory_space<semaphore_mem>>) src(%dma_wait3A_70 : memref<2x128xi32, #tpu.memory_space<hbm>>) dst(%dma_wait3A_66 : memref<2x128xi32, #tpu.memory_space<vmem>>)
        %run_scoped3A = arith.constant 0 : i32
        "tpu.region"() ({
          %run_scoped3A_71 = tpu.sem_alloc : memref<!tpu.dma_semaphore, #tpu.memory_space<semaphore_mem>>
          %dma_start3A = arith.constant 0 : i32
          %dma_start3A_72 = tpu.memref_slice %arg4[%sub3A_43, %run_scoped3A, %dma_start3A] : memref<2x2x128xi32, #tpu.memory_space<vmem>> -> memref<1x1x128xi32, #tpu.memory_space<vmem>>
          %dma_start3A_73 = tpu.memref_squeeze %dma_start3A_72 : memref<1x1x128xi32, #tpu.memory_space<vmem>> -> memref<128xi32, #tpu.memory_space<vmem>>
          %dma_start3A_74 = arith.constant 0 : i32
          %dma_start3A_75 = arith.constant 0 : i32
          %dma_start3A_76 = tpu.memref_slice %arg6[%dma_start3A_74, %dma_start3A_75] : memref<10112x16xf32, #tpu.memory_space<vmem_shared>> -> memref<10112x16xf32, #tpu.memory_space<vmem_shared>>
          tpu.enqueue_indirect_dma source(%arg5 : memref<128x16xf32, #tpu.memory_space<vmem>>) target(%dma_start3A_76 : memref<10112x16xf32, #tpu.memory_space<vmem_shared>>) offsets(%dma_start3A_73 : memref<128xi32, #tpu.memory_space<vmem>>) semaphore(%run_scoped3A_71 : memref<!tpu.dma_semaphore, #tpu.memory_space<semaphore_mem>>) {add = true}
          %dma_wait3A_77 = arith.constant 0 : i32
          %dma_wait3A_78 = tpu.memref_slice %arg4[%sub3A_43, %run_scoped3A, %dma_wait3A_77] : memref<2x2x128xi32, #tpu.memory_space<vmem>> -> memref<1x1x128xi32, #tpu.memory_space<vmem>>
          %dma_wait3A_79 = tpu.memref_squeeze %dma_wait3A_78 : memref<1x1x128xi32, #tpu.memory_space<vmem>> -> memref<128xi32, #tpu.memory_space<vmem>>
          %dma_wait3A_80 = arith.constant 0 : i32
          %dma_wait3A_81 = arith.constant 0 : i32
          %dma_wait3A_82 = tpu.memref_slice %arg6[%dma_wait3A_80, %dma_wait3A_81] : memref<10112x16xf32, #tpu.memory_space<vmem_shared>> -> memref<10112x16xf32, #tpu.memory_space<vmem_shared>>
          tpu.wait_indirect_dma semaphore(%run_scoped3A_71 : memref<!tpu.dma_semaphore, #tpu.memory_space<semaphore_mem>>) src(%arg5 : memref<128x16xf32, #tpu.memory_space<vmem>>) dst(%dma_wait3A_82 : memref<10112x16xf32, #tpu.memory_space<vmem_shared>>)
          tpu.yield
        }) : () -> ()
      } else {
      }
      %scan3A_50 = arith.constant 0 : i32
      scf.yield %scan3A_50 : i32
    }
    %scan3A_34 = arith.constant 80 : i32
    %barrier3A_35 = arith.constant 0 : index
    tpu.barrier barrier_id(%barrier3A_35)
    %mul3A_36 = arith.constant 632 : i32
    %mul3A_37 = arith.muli %arg1, %mul3A_36 : i32
    %mul3A_38 = arith.constant 632 : i32
    %mul3A_39 = arith.muli %arg1, %mul3A_38 : i32
    "tpu.region"() ({
      %run_scoped3A = tpu.sem_alloc : memref<!tpu.dma_semaphore, #tpu.memory_space<semaphore_mem>>
      %dma_start3A = arith.constant 0 : i32
      %dma_start3A_40 = arith.constant 0 : i32
      %dma_start3A_41 = tpu.memref_slice %arg3[%arg0, %dma_start3A, %dma_start3A_40] : memref<2x10112x16xf32, #tpu.memory_space<hbm>> -> memref<1x10112x16xf32, #tpu.memory_space<hbm>>
      %dma_start3A_42 = tpu.memref_squeeze %dma_start3A_41 : memref<1x10112x16xf32, #tpu.memory_space<hbm>> -> memref<10112x16xf32, #tpu.memory_space<hbm>>
      %dma_start3A_43 = arith.constant 0 : i32
      %dma_start3A_44 = tpu.memref_slice %dma_start3A_42[%mul3A_39, %dma_start3A_43] : memref<10112x16xf32, #tpu.memory_space<hbm>> -> memref<632x16xf32, #tpu.memory_space<hbm>>
      %dma_start3A_45 = arith.constant 0 : i32
      %dma_start3A_46 = tpu.memref_slice %arg6[%mul3A_37, %dma_start3A_45] : memref<10112x16xf32, #tpu.memory_space<vmem_shared>> -> memref<632x16xf32, #tpu.memory_space<vmem_shared>>
      tpu.enqueue_dma source(%dma_start3A_46 : memref<632x16xf32, #tpu.memory_space<vmem_shared>>) target(%dma_start3A_44 : memref<632x16xf32, #tpu.memory_space<hbm>>) target_semaphore(%run_scoped3A : memref<!tpu.dma_semaphore, #tpu.memory_space<semaphore_mem>>)
      %dma_wait3A = arith.constant 0 : i32
      %dma_wait3A_47 = arith.constant 0 : i32
      %dma_wait3A_48 = tpu.memref_slice %arg3[%arg0, %dma_wait3A, %dma_wait3A_47] : memref<2x10112x16xf32, #tpu.memory_space<hbm>> -> memref<1x10112x16xf32, #tpu.memory_space<hbm>>
      %dma_wait3A_49 = tpu.memref_squeeze %dma_wait3A_48 : memref<1x10112x16xf32, #tpu.memory_space<hbm>> -> memref<10112x16xf32, #tpu.memory_space<hbm>>
      %dma_wait3A_50 = arith.constant 0 : i32
      %dma_wait3A_51 = tpu.memref_slice %dma_wait3A_49[%mul3A_39, %dma_wait3A_50] : memref<10112x16xf32, #tpu.memory_space<hbm>> -> memref<632x16xf32, #tpu.memory_space<hbm>>
      %dma_wait3A_52 = arith.constant 0 : i32
      %dma_wait3A_53 = tpu.memref_slice %arg6[%mul3A_37, %dma_wait3A_52] : memref<10112x16xf32, #tpu.memory_space<vmem_shared>> -> memref<632x16xf32, #tpu.memory_space<vmem_shared>>
      tpu.wait_dma2 semaphore(%run_scoped3A : memref<!tpu.dma_semaphore, #tpu.memory_space<semaphore_mem>>) src(%dma_wait3A_53 : memref<632x16xf32, #tpu.memory_space<vmem_shared>>) dst(%dma_wait3A_51 : memref<632x16xf32, #tpu.memory_space<hbm>>)
      tpu.yield
    }) : () -> ()
    return
  }
}

#map = affine_map<(d0, d1) -> (0, 0)>
#map1 = affine_map<(d0, d1) -> (0, 0, 0)>
module attributes {stable_mosaic.version = 14 : i64} {
  func.func @k(%arg0: i32, %arg1: i32, %arg2: memref<10112x128xf32, #tpu.memory_space<hbm>>, %arg3: memref<323584x128xf32, #tpu.memory_space<hbm>>, %arg4: memref<10112x128xf32, #tpu.memory_space<hbm>>, %arg5: memref<2528x2x128xi32, #tpu.memory_space<hbm>>, %arg6: memref<2x10112x128xf32, #tpu.memory_space<hbm>>, %arg7: memref<2x128xi32, #tpu.memory_space<vmem>>, %arg8: memref<128x128xf32, #tpu.memory_space<vmem>>, %arg9: memref<128x128xf32, #tpu.memory_space<vmem>>, %arg10: memref<128x128xf32, #tpu.memory_space<vmem>>, %arg11: memref<!tpu.dma_semaphore, #tpu.memory_space<semaphore_mem>>, %arg12: memref<!tpu.dma_semaphore, #tpu.memory_space<semaphore_mem>>, %arg13: memref<!tpu.dma_semaphore, #tpu.memory_space<semaphore_mem>>, %arg14: memref<10112x128xf32, #tpu.memory_space<vmem_shared>>) attributes {dimension_semantics = [#tpu.dimension_semantics<core_parallel>, #tpu.dimension_semantics<subcore_parallel>], iteration_bounds = array<i64: 2, 16>, scalar_prefetch = 0 : i64, scratch_operands = 8 : i64, tpu.core_type = #tpu.core_type<sc_vector_subcore>, window_params = [{transform_indices = #map}, {transform_indices = #map}, {transform_indices = #map}, {transform_indices = #map1}, {transform_indices = #map1}]} {
    %mul3A = arith.constant 16 : i32
    %mul3A_0 = arith.muli %arg0, %mul3A : i32
    %add3A = arith.addi %mul3A_0, %arg1 : i32
    %mul3A_1 = arith.constant 79 : i32
    %mul3A_2 = arith.muli %add3A, %mul3A_1 : i32
    %scan3A = arith.constant 0 : i32
    %scan3A_3 = arith.constant 0 : i32
    %scan3A_4 = arith.constant 128 : i32
    %scan3A_5 = arith.addi %scan3A_3, %scan3A_4 : i32
    %scan3A_6 = arith.constant 1 : i32
    %scan3A_7 = scf.for %scan3A_33 = %scan3A_3 to %scan3A_5 step %scan3A_6 iter_args(%scan3A_34 = %scan3A) -> (i32)  : i32 {
      %broadcast_in_dim3A = arith.constant 0.000000e+00 : f32
      %broadcast_in_dim3A_35 = vector.broadcast %broadcast_in_dim3A : f32 to vector<16xf32>
      %swap3A = arith.index_cast %scan3A_33 : i32 to index
      %swap3A_36 = arith.constant 0 : index
      %swap3A_37 = tpu.vector_load %arg8[%swap3A, %swap3A_36] {strides = array<i32>} : memref<128x128xf32, #tpu.memory_space<vmem>>, vector<1x16xf32>,
      %swap3A_38 = vector.shape_cast %swap3A_37 : vector<1x16xf32> to vector<16xf32>
      %swap3A_39 = vector.shape_cast %broadcast_in_dim3A_35 : vector<16xf32> to vector<1x16xf32>
      tpu.vector_store %arg8[%swap3A, %swap3A_36], %swap3A_39 {strides = array<i32>} : memref<128x128xf32, #tpu.memory_space<vmem>>, vector<1x16xf32>,
      %broadcast_in_dim3A_40 = arith.constant 0.000000e+00 : f32
      %broadcast_in_dim3A_41 = vector.broadcast %broadcast_in_dim3A_40 : f32 to vector<16xf32>
      %swap3A_42 = arith.index_cast %scan3A_33 : i32 to index
      %swap3A_43 = arith.constant 16 : index
      %swap3A_44 = tpu.vector_load %arg8[%swap3A_42, %swap3A_43] {strides = array<i32>} : memref<128x128xf32, #tpu.memory_space<vmem>>, vector<1x16xf32>,
      %swap3A_45 = vector.shape_cast %swap3A_44 : vector<1x16xf32> to vector<16xf32>
      %swap3A_46 = vector.shape_cast %broadcast_in_dim3A_41 : vector<16xf32> to vector<1x16xf32>
      tpu.vector_store %arg8[%swap3A_42, %swap3A_43], %swap3A_46 {strides = array<i32>} : memref<128x128xf32, #tpu.memory_space<vmem>>, vector<1x16xf32>,
      %broadcast_in_dim3A_47 = arith.constant 0.000000e+00 : f32
      %broadcast_in_dim3A_48 = vector.broadcast %broadcast_in_dim3A_47 : f32 to vector<16xf32>
      %swap3A_49 = arith.index_cast %scan3A_33 : i32 to index
      %swap3A_50 = arith.constant 32 : index
      %swap3A_51 = tpu.vector_load %arg8[%swap3A_49, %swap3A_50] {strides = array<i32>} : memref<128x128xf32, #tpu.memory_space<vmem>>, vector<1x16xf32>,
      %swap3A_52 = vector.shape_cast %swap3A_51 : vector<1x16xf32> to vector<16xf32>
      %swap3A_53 = vector.shape_cast %broadcast_in_dim3A_48 : vector<16xf32> to vector<1x16xf32>
      tpu.vector_store %arg8[%swap3A_49, %swap3A_50], %swap3A_53 {strides = array<i32>} : memref<128x128xf32, #tpu.memory_space<vmem>>, vector<1x16xf32>,
      %broadcast_in_dim3A_54 = arith.constant 0.000000e+00 : f32
      %broadcast_in_dim3A_55 = vector.broadcast %broadcast_in_dim3A_54 : f32 to vector<16xf32>
      %swap3A_56 = arith.index_cast %scan3A_33 : i32 to index
      %swap3A_57 = arith.constant 48 : index
      %swap3A_58 = tpu.vector_load %arg8[%swap3A_56, %swap3A_57] {strides = array<i32>} : memref<128x128xf32, #tpu.memory_space<vmem>>, vector<1x16xf32>,
      %swap3A_59 = vector.shape_cast %swap3A_58 : vector<1x16xf32> to vector<16xf32>
      %swap3A_60 = vector.shape_cast %broadcast_in_dim3A_55 : vector<16xf32> to vector<1x16xf32>
      tpu.vector_store %arg8[%swap3A_56, %swap3A_57], %swap3A_60 {strides = array<i32>} : memref<128x128xf32, #tpu.memory_space<vmem>>, vector<1x16xf32>,
      %broadcast_in_dim3A_61 = arith.constant 0.000000e+00 : f32
      %broadcast_in_dim3A_62 = vector.broadcast %broadcast_in_dim3A_61 : f32 to vector<16xf32>
      %swap3A_63 = arith.index_cast %scan3A_33 : i32 to index
      %swap3A_64 = arith.constant 64 : index
      %swap3A_65 = tpu.vector_load %arg8[%swap3A_63, %swap3A_64] {strides = array<i32>} : memref<128x128xf32, #tpu.memory_space<vmem>>, vector<1x16xf32>,
      %swap3A_66 = vector.shape_cast %swap3A_65 : vector<1x16xf32> to vector<16xf32>
      %swap3A_67 = vector.shape_cast %broadcast_in_dim3A_62 : vector<16xf32> to vector<1x16xf32>
      tpu.vector_store %arg8[%swap3A_63, %swap3A_64], %swap3A_67 {strides = array<i32>} : memref<128x128xf32, #tpu.memory_space<vmem>>, vector<1x16xf32>,
      %broadcast_in_dim3A_68 = arith.constant 0.000000e+00 : f32
      %broadcast_in_dim3A_69 = vector.broadcast %broadcast_in_dim3A_68 : f32 to vector<16xf32>
      %swap3A_70 = arith.index_cast %scan3A_33 : i32 to index
      %swap3A_71 = arith.constant 80 : index
      %swap3A_72 = tpu.vector_load %arg8[%swap3A_70, %swap3A_71] {strides = array<i32>} : memref<128x128xf32, #tpu.memory_space<vmem>>, vector<1x16xf32>,
      %swap3A_73 = vector.shape_cast %swap3A_72 : vector<1x16xf32> to vector<16xf32>
      %swap3A_74 = vector.shape_cast %broadcast_in_dim3A_69 : vector<16xf32> to vector<1x16xf32>
      tpu.vector_store %arg8[%swap3A_70, %swap3A_71], %swap3A_74 {strides = array<i32>} : memref<128x128xf32, #tpu.memory_space<vmem>>, vector<1x16xf32>,
      %broadcast_in_dim3A_75 = arith.constant 0.000000e+00 : f32
      %broadcast_in_dim3A_76 = vector.broadcast %broadcast_in_dim3A_75 : f32 to vector<16xf32>
      %swap3A_77 = arith.index_cast %scan3A_33 : i32 to index
      %swap3A_78 = arith.constant 96 : index
      %swap3A_79 = tpu.vector_load %arg8[%swap3A_77, %swap3A_78] {strides = array<i32>} : memref<128x128xf32, #tpu.memory_space<vmem>>, vector<1x16xf32>,
      %swap3A_80 = vector.shape_cast %swap3A_79 : vector<1x16xf32> to vector<16xf32>
      %swap3A_81 = vector.shape_cast %broadcast_in_dim3A_76 : vector<16xf32> to vector<1x16xf32>
      tpu.vector_store %arg8[%swap3A_77, %swap3A_78], %swap3A_81 {strides = array<i32>} : memref<128x128xf32, #tpu.memory_space<vmem>>, vector<1x16xf32>,
      %broadcast_in_dim3A_82 = arith.constant 0.000000e+00 : f32
      %broadcast_in_dim3A_83 = vector.broadcast %broadcast_in_dim3A_82 : f32 to vector<16xf32>
      %swap3A_84 = arith.index_cast %scan3A_33 : i32 to index
      %swap3A_85 = arith.constant 112 : index
      %swap3A_86 = tpu.vector_load %arg8[%swap3A_84, %swap3A_85] {strides = array<i32>} : memref<128x128xf32, #tpu.memory_space<vmem>>, vector<1x16xf32>,
      %swap3A_87 = vector.shape_cast %swap3A_86 : vector<1x16xf32> to vector<16xf32>
      %swap3A_88 = vector.shape_cast %broadcast_in_dim3A_83 : vector<16xf32> to vector<1x16xf32>
      tpu.vector_store %arg8[%swap3A_84, %swap3A_85], %swap3A_88 {strides = array<i32>} : memref<128x128xf32, #tpu.memory_space<vmem>>, vector<1x16xf32>,
      %scan3A_89 = arith.constant 0 : i32
      scf.yield %scan3A_89 : i32
    }
    %scan3A_8 = arith.constant 128 : i32
    %mul3A_9 = arith.constant 632 : i32
    %mul3A_10 = arith.muli %arg1, %mul3A_9 : i32
    %add3A_11 = arith.constant 0 : i32
    %add3A_12 = arith.addi %mul3A_10, %add3A_11 : i32
    "tpu.region"() ({
      %run_scoped3A = tpu.sem_alloc : memref<!tpu.dma_semaphore, #tpu.memory_space<semaphore_mem>>
      %dma_start3A = arith.constant 0 : i32
      %dma_start3A_33 = tpu.memref_slice %arg14[%add3A_12, %dma_start3A] : memref<10112x128xf32, #tpu.memory_space<vmem_shared>> -> memref<128x128xf32, #tpu.memory_space<vmem_shared>>
      %dma_start3A_34 = arith.constant 0 : i32
      %dma_start3A_35 = tpu.memref_slice %arg14[%add3A_12, %dma_start3A_34] : memref<10112x128xf32, #tpu.memory_space<vmem_shared>> -> memref<128x128xf32, #tpu.memory_space<vmem_shared>>
      tpu.enqueue_dma source(%arg8 : memref<128x128xf32, #tpu.memory_space<vmem>>) target(%dma_start3A_35 : memref<128x128xf32, #tpu.memory_space<vmem_shared>>) target_semaphore(%run_scoped3A : memref<!tpu.dma_semaphore, #tpu.memory_space<semaphore_mem>>)
      %dma_wait3A = arith.constant 0 : i32
      %dma_wait3A_36 = tpu.memref_slice %arg14[%add3A_12, %dma_wait3A] : memref<10112x128xf32, #tpu.memory_space<vmem_shared>> -> memref<128x128xf32, #tpu.memory_space<vmem_shared>>
      %dma_wait3A_37 = arith.constant 0 : i32
      %dma_wait3A_38 = tpu.memref_slice %arg14[%add3A_12, %dma_wait3A_37] : memref<10112x128xf32, #tpu.memory_space<vmem_shared>> -> memref<128x128xf32, #tpu.memory_space<vmem_shared>>
      tpu.wait_dma2 semaphore(%run_scoped3A : memref<!tpu.dma_semaphore, #tpu.memory_space<semaphore_mem>>) src(%arg8 : memref<128x128xf32, #tpu.memory_space<vmem>>) dst(%dma_wait3A_38 : memref<128x128xf32, #tpu.memory_space<vmem_shared>>)
      tpu.yield
    }) : () -> ()
    %add3A_13 = arith.constant 128 : i32
    %add3A_14 = arith.addi %mul3A_10, %add3A_13 : i32
    "tpu.region"() ({
      %run_scoped3A = tpu.sem_alloc : memref<!tpu.dma_semaphore, #tpu.memory_space<semaphore_mem>>
      %dma_start3A = arith.constant 0 : i32
      %dma_start3A_33 = tpu.memref_slice %arg14[%add3A_14, %dma_start3A] : memref<10112x128xf32, #tpu.memory_space<vmem_shared>> -> memref<128x128xf32, #tpu.memory_space<vmem_shared>>
      %dma_start3A_34 = arith.constant 0 : i32
      %dma_start3A_35 = tpu.memref_slice %arg14[%add3A_14, %dma_start3A_34] : memref<10112x128xf32, #tpu.memory_space<vmem_shared>> -> memref<128x128xf32, #tpu.memory_space<vmem_shared>>
      tpu.enqueue_dma source(%arg8 : memref<128x128xf32, #tpu.memory_space<vmem>>) target(%dma_start3A_35 : memref<128x128xf32, #tpu.memory_space<vmem_shared>>) target_semaphore(%run_scoped3A : memref<!tpu.dma_semaphore, #tpu.memory_space<semaphore_mem>>)
      %dma_wait3A = arith.constant 0 : i32
      %dma_wait3A_36 = tpu.memref_slice %arg14[%add3A_14, %dma_wait3A] : memref<10112x128xf32, #tpu.memory_space<vmem_shared>> -> memref<128x128xf32, #tpu.memory_space<vmem_shared>>
      %dma_wait3A_37 = arith.constant 0 : i32
      %dma_wait3A_38 = tpu.memref_slice %arg14[%add3A_14, %dma_wait3A_37] : memref<10112x128xf32, #tpu.memory_space<vmem_shared>> -> memref<128x128xf32, #tpu.memory_space<vmem_shared>>
      tpu.wait_dma2 semaphore(%run_scoped3A : memref<!tpu.dma_semaphore, #tpu.memory_space<semaphore_mem>>) src(%arg8 : memref<128x128xf32, #tpu.memory_space<vmem>>) dst(%dma_wait3A_38 : memref<128x128xf32, #tpu.memory_space<vmem_shared>>)
      tpu.yield
    }) : () -> ()
    %add3A_15 = arith.constant 256 : i32
    %add3A_16 = arith.addi %mul3A_10, %add3A_15 : i32
    "tpu.region"() ({
      %run_scoped3A = tpu.sem_alloc : memref<!tpu.dma_semaphore, #tpu.memory_space<semaphore_mem>>
      %dma_start3A = arith.constant 0 : i32
      %dma_start3A_33 = tpu.memref_slice %arg14[%add3A_16, %dma_start3A] : memref<10112x128xf32, #tpu.memory_space<vmem_shared>> -> memref<128x128xf32, #tpu.memory_space<vmem_shared>>
      %dma_start3A_34 = arith.constant 0 : i32
      %dma_start3A_35 = tpu.memref_slice %arg14[%add3A_16, %dma_start3A_34] : memref<10112x128xf32, #tpu.memory_space<vmem_shared>> -> memref<128x128xf32, #tpu.memory_space<vmem_shared>>
      tpu.enqueue_dma source(%arg8 : memref<128x128xf32, #tpu.memory_space<vmem>>) target(%dma_start3A_35 : memref<128x128xf32, #tpu.memory_space<vmem_shared>>) target_semaphore(%run_scoped3A : memref<!tpu.dma_semaphore, #tpu.memory_space<semaphore_mem>>)
      %dma_wait3A = arith.constant 0 : i32
      %dma_wait3A_36 = tpu.memref_slice %arg14[%add3A_16, %dma_wait3A] : memref<10112x128xf32, #tpu.memory_space<vmem_shared>> -> memref<128x128xf32, #tpu.memory_space<vmem_shared>>
      %dma_wait3A_37 = arith.constant 0 : i32
      %dma_wait3A_38 = tpu.memref_slice %arg14[%add3A_16, %dma_wait3A_37] : memref<10112x128xf32, #tpu.memory_space<vmem_shared>> -> memref<128x128xf32, #tpu.memory_space<vmem_shared>>
      tpu.wait_dma2 semaphore(%run_scoped3A : memref<!tpu.dma_semaphore, #tpu.memory_space<semaphore_mem>>) src(%arg8 : memref<128x128xf32, #tpu.memory_space<vmem>>) dst(%dma_wait3A_38 : memref<128x128xf32, #tpu.memory_space<vmem_shared>>)
      tpu.yield
    }) : () -> ()
    %add3A_17 = arith.constant 384 : i32
    %add3A_18 = arith.addi %mul3A_10, %add3A_17 : i32
    "tpu.region"() ({
      %run_scoped3A = tpu.sem_alloc : memref<!tpu.dma_semaphore, #tpu.memory_space<semaphore_mem>>
      %dma_start3A = arith.constant 0 : i32
      %dma_start3A_33 = tpu.memref_slice %arg14[%add3A_18, %dma_start3A] : memref<10112x128xf32, #tpu.memory_space<vmem_shared>> -> memref<128x128xf32, #tpu.memory_space<vmem_shared>>
      %dma_start3A_34 = arith.constant 0 : i32
      %dma_start3A_35 = tpu.memref_slice %arg14[%add3A_18, %dma_start3A_34] : memref<10112x128xf32, #tpu.memory_space<vmem_shared>> -> memref<128x128xf32, #tpu.memory_space<vmem_shared>>
      tpu.enqueue_dma source(%arg8 : memref<128x128xf32, #tpu.memory_space<vmem>>) target(%dma_start3A_35 : memref<128x128xf32, #tpu.memory_space<vmem_shared>>) target_semaphore(%run_scoped3A : memref<!tpu.dma_semaphore, #tpu.memory_space<semaphore_mem>>)
      %dma_wait3A = arith.constant 0 : i32
      %dma_wait3A_36 = tpu.memref_slice %arg14[%add3A_18, %dma_wait3A] : memref<10112x128xf32, #tpu.memory_space<vmem_shared>> -> memref<128x128xf32, #tpu.memory_space<vmem_shared>>
      %dma_wait3A_37 = arith.constant 0 : i32
      %dma_wait3A_38 = tpu.memref_slice %arg14[%add3A_18, %dma_wait3A_37] : memref<10112x128xf32, #tpu.memory_space<vmem_shared>> -> memref<128x128xf32, #tpu.memory_space<vmem_shared>>
      tpu.wait_dma2 semaphore(%run_scoped3A : memref<!tpu.dma_semaphore, #tpu.memory_space<semaphore_mem>>) src(%arg8 : memref<128x128xf32, #tpu.memory_space<vmem>>) dst(%dma_wait3A_38 : memref<128x128xf32, #tpu.memory_space<vmem_shared>>)
      tpu.yield
    }) : () -> ()
    %add3A_19 = arith.constant 512 : i32
    %add3A_20 = arith.addi %mul3A_10, %add3A_19 : i32
    "tpu.region"() ({
      %run_scoped3A = tpu.sem_alloc : memref<!tpu.dma_semaphore, #tpu.memory_space<semaphore_mem>>
      %dma_start3A = arith.constant 0 : i32
      %dma_start3A_33 = arith.constant 0 : i32
      %dma_start3A_34 = tpu.memref_slice %arg8[%dma_start3A, %dma_start3A_33] : memref<128x128xf32, #tpu.memory_space<vmem>> -> memref<120x128xf32, #tpu.memory_space<vmem>>
      %dma_start3A_35 = arith.constant 0 : i32
      %dma_start3A_36 = tpu.memref_slice %arg14[%add3A_20, %dma_start3A_35] : memref<10112x128xf32, #tpu.memory_space<vmem_shared>> -> memref<120x128xf32, #tpu.memory_space<vmem_shared>>
      %dma_start3A_37 = arith.constant 0 : i32
      %dma_start3A_38 = tpu.memref_slice %arg14[%add3A_20, %dma_start3A_37] : memref<10112x128xf32, #tpu.memory_space<vmem_shared>> -> memref<120x128xf32, #tpu.memory_space<vmem_shared>>
      %dma_start3A_39 = arith.constant 0 : i32
      %dma_start3A_40 = arith.constant 0 : i32
      %dma_start3A_41 = tpu.memref_slice %arg8[%dma_start3A_39, %dma_start3A_40] : memref<128x128xf32, #tpu.memory_space<vmem>> -> memref<120x128xf32, #tpu.memory_space<vmem>>
      tpu.enqueue_dma source(%dma_start3A_41 : memref<120x128xf32, #tpu.memory_space<vmem>>) target(%dma_start3A_38 : memref<120x128xf32, #tpu.memory_space<vmem_shared>>) target_semaphore(%run_scoped3A : memref<!tpu.dma_semaphore, #tpu.memory_space<semaphore_mem>>)
      %dma_wait3A = arith.constant 0 : i32
      %dma_wait3A_42 = arith.constant 0 : i32
      %dma_wait3A_43 = tpu.memref_slice %arg8[%dma_wait3A, %dma_wait3A_42] : memref<128x128xf32, #tpu.memory_space<vmem>> -> memref<120x128xf32, #tpu.memory_space<vmem>>
      %dma_wait3A_44 = arith.constant 0 : i32
      %dma_wait3A_45 = tpu.memref_slice %arg14[%add3A_20, %dma_wait3A_44] : memref<10112x128xf32, #tpu.memory_space<vmem_shared>> -> memref<120x128xf32, #tpu.memory_space<vmem_shared>>
      %dma_wait3A_46 = arith.constant 0 : i32
      %dma_wait3A_47 = tpu.memref_slice %arg14[%add3A_20, %dma_wait3A_46] : memref<10112x128xf32, #tpu.memory_space<vmem_shared>> -> memref<120x128xf32, #tpu.memory_space<vmem_shared>>
      %dma_wait3A_48 = arith.constant 0 : i32
      %dma_wait3A_49 = arith.constant 0 : i32
      %dma_wait3A_50 = tpu.memref_slice %arg8[%dma_wait3A_48, %dma_wait3A_49] : memref<128x128xf32, #tpu.memory_space<vmem>> -> memref<120x128xf32, #tpu.memory_space<vmem>>
      tpu.wait_dma2 semaphore(%run_scoped3A : memref<!tpu.dma_semaphore, #tpu.memory_space<semaphore_mem>>) src(%dma_wait3A_50 : memref<120x128xf32, #tpu.memory_space<vmem>>) dst(%dma_wait3A_47 : memref<120x128xf32, #tpu.memory_space<vmem_shared>>)
      tpu.yield
    }) : () -> ()
    %barrier3A = arith.constant 0 : index
    tpu.barrier barrier_id(%barrier3A)
    %scan3A_21 = arith.constant 0 : i32
    %scan3A_22 = arith.constant 0 : i32
    %scan3A_23 = arith.constant 79 : i32
    %scan3A_24 = arith.addi %scan3A_22, %scan3A_23 : i32
    %scan3A_25 = arith.constant 1 : i32
    %scan3A_26 = scf.for %scan3A_33 = %scan3A_22 to %scan3A_24 step %scan3A_25 iter_args(%scan3A_34 = %scan3A_21) -> (i32)  : i32 {
      %add3A_35 = arith.addi %mul3A_2, %scan3A_33 : i32
      "tpu.region"() ({
        %run_scoped3A_82 = tpu.sem_alloc : memref<!tpu.dma_semaphore, #tpu.memory_space<semaphore_mem>>
        %dma_start3A_83 = arith.constant 0 : i32
        %dma_start3A_84 = arith.constant 0 : i32
        %dma_start3A_85 = tpu.memref_slice %arg5[%add3A_35, %dma_start3A_83, %dma_start3A_84] : memref<2528x2x128xi32, #tpu.memory_space<hbm>> -> memref<1x2x128xi32, #tpu.memory_space<hbm>>
        %dma_start3A_86 = tpu.memref_squeeze %dma_start3A_85 : memref<1x2x128xi32, #tpu.memory_space<hbm>> -> memref<2x128xi32, #tpu.memory_space<hbm>>
        %dma_start3A_87 = arith.constant 0 : i32
        %dma_start3A_88 = arith.constant 0 : i32
        %dma_start3A_89 = tpu.memref_slice %arg5[%add3A_35, %dma_start3A_87, %dma_start3A_88] : memref<2528x2x128xi32, #tpu.memory_space<hbm>> -> memref<1x2x128xi32, #tpu.memory_space<hbm>>
        %dma_start3A_90 = tpu.memref_squeeze %dma_start3A_89 : memref<1x2x128xi32, #tpu.memory_space<hbm>> -> memref<2x128xi32, #tpu.memory_space<hbm>>
        tpu.enqueue_dma source(%dma_start3A_90 : memref<2x128xi32, #tpu.memory_space<hbm>>) target(%arg7 : memref<2x128xi32, #tpu.memory_space<vmem>>) target_semaphore(%run_scoped3A_82 : memref<!tpu.dma_semaphore, #tpu.memory_space<semaphore_mem>>)
        %dma_wait3A_91 = arith.constant 0 : i32
        %dma_wait3A_92 = arith.constant 0 : i32
        %dma_wait3A_93 = tpu.memref_slice %arg5[%add3A_35, %dma_wait3A_91, %dma_wait3A_92] : memref<2528x2x128xi32, #tpu.memory_space<hbm>> -> memref<1x2x128xi32, #tpu.memory_space<hbm>>
        %dma_wait3A_94 = tpu.memref_squeeze %dma_wait3A_93 : memref<1x2x128xi32, #tpu.memory_space<hbm>> -> memref<2x128xi32, #tpu.memory_space<hbm>>
        %dma_wait3A_95 = arith.constant 0 : i32
        %dma_wait3A_96 = arith.constant 0 : i32
        %dma_wait3A_97 = tpu.memref_slice %arg5[%add3A_35, %dma_wait3A_95, %dma_wait3A_96] : memref<2528x2x128xi32, #tpu.memory_space<hbm>> -> memref<1x2x128xi32, #tpu.memory_space<hbm>>
        %dma_wait3A_98 = tpu.memref_squeeze %dma_wait3A_97 : memref<1x2x128xi32, #tpu.memory_space<hbm>> -> memref<2x128xi32, #tpu.memory_space<hbm>>
        tpu.wait_dma2 semaphore(%run_scoped3A_82 : memref<!tpu.dma_semaphore, #tpu.memory_space<semaphore_mem>>) src(%dma_wait3A_98 : memref<2x128xi32, #tpu.memory_space<hbm>>) dst(%arg7 : memref<2x128xi32, #tpu.memory_space<vmem>>)
        tpu.yield
      }) : () -> ()
      %dma_start3A = arith.constant 0 : i32
      %dma_start3A_36 = arith.constant 0 : i32
      %dma_start3A_37 = tpu.memref_slice %arg7[%dma_start3A, %dma_start3A_36] : memref<2x128xi32, #tpu.memory_space<vmem>> -> memref<1x128xi32, #tpu.memory_space<vmem>>
      %dma_start3A_38 = tpu.memref_squeeze %dma_start3A_37 : memref<1x128xi32, #tpu.memory_space<vmem>> -> memref<128xi32, #tpu.memory_space<vmem>>
      %dma_start3A_39 = arith.constant 0 : i32
      %dma_start3A_40 = arith.constant 0 : i32
      %dma_start3A_41 = tpu.memref_slice %arg2[%dma_start3A_39, %dma_start3A_40] : memref<10112x128xf32, #tpu.memory_space<hbm>> -> memref<10112x128xf32, #tpu.memory_space<hbm>>
      tpu.enqueue_indirect_dma source(%dma_start3A_41 : memref<10112x128xf32, #tpu.memory_space<hbm>>) target(%arg8 : memref<128x128xf32, #tpu.memory_space<vmem>>) offsets(%dma_start3A_38 : memref<128xi32, #tpu.memory_space<vmem>>) semaphore(%arg11 : memref<!tpu.dma_semaphore, #tpu.memory_space<semaphore_mem>>)
      %dma_start3A_42 = arith.constant 0 : i32
      %dma_start3A_43 = arith.constant 0 : i32
      %dma_start3A_44 = tpu.memref_slice %arg7[%dma_start3A_42, %dma_start3A_43] : memref<2x128xi32, #tpu.memory_space<vmem>> -> memref<1x128xi32, #tpu.memory_space<vmem>>
      %dma_start3A_45 = tpu.memref_squeeze %dma_start3A_44 : memref<1x128xi32, #tpu.memory_space<vmem>> -> memref<128xi32, #tpu.memory_space<vmem>>
      %dma_start3A_46 = arith.constant 0 : i32
      %dma_start3A_47 = arith.constant 0 : i32
      %dma_start3A_48 = tpu.memref_slice %arg4[%dma_start3A_46, %dma_start3A_47] : memref<10112x128xf32, #tpu.memory_space<hbm>> -> memref<10112x128xf32, #tpu.memory_space<hbm>>
      tpu.enqueue_indirect_dma source(%dma_start3A_48 : memref<10112x128xf32, #tpu.memory_space<hbm>>) target(%arg10 : memref<128x128xf32, #tpu.memory_space<vmem>>) offsets(%dma_start3A_45 : memref<128xi32, #tpu.memory_space<vmem>>) semaphore(%arg13 : memref<!tpu.dma_semaphore, #tpu.memory_space<semaphore_mem>>)
      %mul3A_49 = arith.constant 128 : i32
      %mul3A_50 = arith.muli %add3A_35, %mul3A_49 : i32
      %dma_start3A_51 = arith.constant 0 : i32
      %dma_start3A_52 = tpu.memref_slice %arg3[%mul3A_50, %dma_start3A_51] : memref<323584x128xf32, #tpu.memory_space<hbm>> -> memref<128x128xf32, #tpu.memory_space<hbm>>
      %dma_start3A_53 = arith.constant 0 : i32
      %dma_start3A_54 = tpu.memref_slice %arg3[%mul3A_50, %dma_start3A_53] : memref<323584x128xf32, #tpu.memory_space<hbm>> -> memref<128x128xf32, #tpu.memory_space<hbm>>
      tpu.enqueue_dma source(%dma_start3A_54 : memref<128x128xf32, #tpu.memory_space<hbm>>) target(%arg9 : memref<128x128xf32, #tpu.memory_space<vmem>>) target_semaphore(%arg12 : memref<!tpu.dma_semaphore, #tpu.memory_space<semaphore_mem>>)
      %dma_wait3A = arith.constant 0 : i32
      %dma_wait3A_55 = arith.constant 0 : i32
      %dma_wait3A_56 = tpu.memref_slice %arg7[%dma_wait3A, %dma_wait3A_55] : memref<2x128xi32, #tpu.memory_space<vmem>> -> memref<1x128xi32, #tpu.memory_space<vmem>>
      %dma_wait3A_57 = tpu.memref_squeeze %dma_wait3A_56 : memref<1x128xi32, #tpu.memory_space<vmem>> -> memref<128xi32, #tpu.memory_space<vmem>>
      %dma_wait3A_58 = arith.constant 0 : i32
      %dma_wait3A_59 = arith.constant 0 : i32
      %dma_wait3A_60 = tpu.memref_slice %arg2[%dma_wait3A_58, %dma_wait3A_59] : memref<10112x128xf32, #tpu.memory_space<hbm>> -> memref<10112x128xf32, #tpu.memory_space<hbm>>
      tpu.wait_indirect_dma semaphore(%arg11 : memref<!tpu.dma_semaphore, #tpu.memory_space<semaphore_mem>>) src(%dma_wait3A_60 : memref<10112x128xf32, #tpu.memory_space<hbm>>) dst(%arg8 : memref<128x128xf32, #tpu.memory_space<vmem>>)
      %dma_wait3A_61 = arith.constant 0 : i32
      %dma_wait3A_62 = arith.constant 0 : i32
      %dma_wait3A_63 = tpu.memref_slice %arg7[%dma_wait3A_61, %dma_wait3A_62] : memref<2x128xi32, #tpu.memory_space<vmem>> -> memref<1x128xi32, #tpu.memory_space<vmem>>
      %dma_wait3A_64 = tpu.memref_squeeze %dma_wait3A_63 : memref<1x128xi32, #tpu.memory_space<vmem>> -> memref<128xi32, #tpu.memory_space<vmem>>
      %dma_wait3A_65 = arith.constant 0 : i32
      %dma_wait3A_66 = arith.constant 0 : i32
      %dma_wait3A_67 = tpu.memref_slice %arg4[%dma_wait3A_65, %dma_wait3A_66] : memref<10112x128xf32, #tpu.memory_space<hbm>> -> memref<10112x128xf32, #tpu.memory_space<hbm>>
      tpu.wait_indirect_dma semaphore(%arg13 : memref<!tpu.dma_semaphore, #tpu.memory_space<semaphore_mem>>) src(%dma_wait3A_67 : memref<10112x128xf32, #tpu.memory_space<hbm>>) dst(%arg10 : memref<128x128xf32, #tpu.memory_space<vmem>>)
      %mul3A_68 = arith.constant 128 : i32
      %mul3A_69 = arith.muli %add3A_35, %mul3A_68 : i32
      %dma_wait3A_70 = arith.constant 0 : i32
      %dma_wait3A_71 = tpu.memref_slice %arg3[%mul3A_69, %dma_wait3A_70] : memref<323584x128xf32, #tpu.memory_space<hbm>> -> memref<128x128xf32, #tpu.memory_space<hbm>>
      %dma_wait3A_72 = arith.constant 0 : i32
      %dma_wait3A_73 = tpu.memref_slice %arg3[%mul3A_69, %dma_wait3A_72] : memref<323584x128xf32, #tpu.memory_space<hbm>> -> memref<128x128xf32, #tpu.memory_space<hbm>>
      tpu.wait_dma2 semaphore(%arg12 : memref<!tpu.dma_semaphore, #tpu.memory_space<semaphore_mem>>) src(%dma_wait3A_73 : memref<128x128xf32, #tpu.memory_space<hbm>>) dst(%arg9 : memref<128x128xf32, #tpu.memory_space<vmem>>)
      %scan3A_74 = arith.constant 0 : i32
      %scan3A_75 = arith.constant 0 : i32
      %scan3A_76 = arith.constant 128 : i32
      %scan3A_77 = arith.addi %scan3A_75, %scan3A_76 : i32
      %scan3A_78 = arith.constant 1 : i32
      %scan3A_79 = scf.for %scan3A_82 = %scan3A_75 to %scan3A_77 step %scan3A_78 iter_args(%scan3A_83 = %scan3A_74) -> (i32)  : i32 {
        %get3A = arith.index_cast %scan3A_82 : i32 to index
        %get3A_84 = arith.constant 0 : index
        %get3A_85 = tpu.vector_load %arg10[%get3A, %get3A_84] {strides = array<i32>} : memref<128x128xf32, #tpu.memory_space<vmem>>, vector<1x16xf32>,
        %get3A_86 = vector.shape_cast %get3A_85 : vector<1x16xf32> to vector<16xf32>
        %get3A_87 = arith.index_cast %scan3A_82 : i32 to index
        %get3A_88 = arith.constant 0 : index
        %get3A_89 = tpu.vector_load %arg8[%get3A_87, %get3A_88] {strides = array<i32>} : memref<128x128xf32, #tpu.memory_space<vmem>>, vector<1x16xf32>,
        %get3A_90 = vector.shape_cast %get3A_89 : vector<1x16xf32> to vector<16xf32>
        %get3A_91 = arith.index_cast %scan3A_82 : i32 to index
        %get3A_92 = arith.constant 0 : index
        %get3A_93 = tpu.vector_load %arg9[%get3A_91, %get3A_92] {strides = array<i32>} : memref<128x128xf32, #tpu.memory_space<vmem>>, vector<1x16xf32>,
        %get3A_94 = vector.shape_cast %get3A_93 : vector<1x16xf32> to vector<16xf32>
        %add3A_95 = arith.addf %get3A_90, %get3A_94 : vector<16xf32>
        %max3A = arith.constant 0.000000e+00 : f32
        %max3A_96 = vector.broadcast %max3A : f32 to vector<16xf32>
        %max3A_97 = arith.maximumf %add3A_95, %max3A_96 : vector<16xf32>
        %mul3A_98 = arith.mulf %max3A_97, %get3A_86 : vector<16xf32>
        %swap3A = arith.index_cast %scan3A_82 : i32 to index
        %swap3A_99 = arith.constant 0 : index
        %swap3A_100 = tpu.vector_load %arg8[%swap3A, %swap3A_99] {strides = array<i32>} : memref<128x128xf32, #tpu.memory_space<vmem>>, vector<1x16xf32>,
        %swap3A_101 = vector.shape_cast %swap3A_100 : vector<1x16xf32> to vector<16xf32>
        %swap3A_102 = vector.shape_cast %mul3A_98 : vector<16xf32> to vector<1x16xf32>
        tpu.vector_store %arg8[%swap3A, %swap3A_99], %swap3A_102 {strides = array<i32>} : memref<128x128xf32, #tpu.memory_space<vmem>>, vector<1x16xf32>,
        %get3A_103 = arith.index_cast %scan3A_82 : i32 to index
        %get3A_104 = arith.constant 16 : index
        %get3A_105 = tpu.vector_load %arg8[%get3A_103, %get3A_104] {strides = array<i32>} : memref<128x128xf32, #tpu.memory_space<vmem>>, vector<1x16xf32>,
        %get3A_106 = vector.shape_cast %get3A_105 : vector<1x16xf32> to vector<16xf32>
        %get3A_107 = arith.index_cast %scan3A_82 : i32 to index
        %get3A_108 = arith.constant 16 : index
        %get3A_109 = tpu.vector_load %arg9[%get3A_107, %get3A_108] {strides = array<i32>} : memref<128x128xf32, #tpu.memory_space<vmem>>, vector<1x16xf32>,
        %get3A_110 = vector.shape_cast %get3A_109 : vector<1x16xf32> to vector<16xf32>
        %add3A_111 = arith.addf %get3A_106, %get3A_110 : vector<16xf32>
        %max3A_112 = arith.constant 0.000000e+00 : f32
        %max3A_113 = vector.broadcast %max3A_112 : f32 to vector<16xf32>
        %max3A_114 = arith.maximumf %add3A_111, %max3A_113 : vector<16xf32>
        %mul3A_115 = arith.mulf %max3A_114, %get3A_86 : vector<16xf32>
        %swap3A_116 = arith.index_cast %scan3A_82 : i32 to index
        %swap3A_117 = arith.constant 16 : index
        %swap3A_118 = tpu.vector_load %arg8[%swap3A_116, %swap3A_117] {strides = array<i32>} : memref<128x128xf32, #tpu.memory_space<vmem>>, vector<1x16xf32>,
        %swap3A_119 = vector.shape_cast %swap3A_118 : vector<1x16xf32> to vector<16xf32>
        %swap3A_120 = vector.shape_cast %mul3A_115 : vector<16xf32> to vector<1x16xf32>
        tpu.vector_store %arg8[%swap3A_116, %swap3A_117], %swap3A_120 {strides = array<i32>} : memref<128x128xf32, #tpu.memory_space<vmem>>, vector<1x16xf32>,
        %get3A_121 = arith.index_cast %scan3A_82 : i32 to index
        %get3A_122 = arith.constant 32 : index
        %get3A_123 = tpu.vector_load %arg8[%get3A_121, %get3A_122] {strides = array<i32>} : memref<128x128xf32, #tpu.memory_space<vmem>>, vector<1x16xf32>,
        %get3A_124 = vector.shape_cast %get3A_123 : vector<1x16xf32> to vector<16xf32>
        %get3A_125 = arith.index_cast %scan3A_82 : i32 to index
        %get3A_126 = arith.constant 32 : index
        %get3A_127 = tpu.vector_load %arg9[%get3A_125, %get3A_126] {strides = array<i32>} : memref<128x128xf32, #tpu.memory_space<vmem>>, vector<1x16xf32>,
        %get3A_128 = vector.shape_cast %get3A_127 : vector<1x16xf32> to vector<16xf32>
        %add3A_129 = arith.addf %get3A_124, %get3A_128 : vector<16xf32>
        %max3A_130 = arith.constant 0.000000e+00 : f32
        %max3A_131 = vector.broadcast %max3A_130 : f32 to vector<16xf32>
        %max3A_132 = arith.maximumf %add3A_129, %max3A_131 : vector<16xf32>
        %mul3A_133 = arith.mulf %max3A_132, %get3A_86 : vector<16xf32>
        %swap3A_134 = arith.index_cast %scan3A_82 : i32 to index
        %swap3A_135 = arith.constant 32 : index
        %swap3A_136 = tpu.vector_load %arg8[%swap3A_134, %swap3A_135] {strides = array<i32>} : memref<128x128xf32, #tpu.memory_space<vmem>>, vector<1x16xf32>,
        %swap3A_137 = vector.shape_cast %swap3A_136 : vector<1x16xf32> to vector<16xf32>
        %swap3A_138 = vector.shape_cast %mul3A_133 : vector<16xf32> to vector<1x16xf32>
        tpu.vector_store %arg8[%swap3A_134, %swap3A_135], %swap3A_138 {strides = array<i32>} : memref<128x128xf32, #tpu.memory_space<vmem>>, vector<1x16xf32>,
        %get3A_139 = arith.index_cast %scan3A_82 : i32 to index
        %get3A_140 = arith.constant 48 : index
        %get3A_141 = tpu.vector_load %arg8[%get3A_139, %get3A_140] {strides = array<i32>} : memref<128x128xf32, #tpu.memory_space<vmem>>, vector<1x16xf32>,
        %get3A_142 = vector.shape_cast %get3A_141 : vector<1x16xf32> to vector<16xf32>
        %get3A_143 = arith.index_cast %scan3A_82 : i32 to index
        %get3A_144 = arith.constant 48 : index
        %get3A_145 = tpu.vector_load %arg9[%get3A_143, %get3A_144] {strides = array<i32>} : memref<128x128xf32, #tpu.memory_space<vmem>>, vector<1x16xf32>,
        %get3A_146 = vector.shape_cast %get3A_145 : vector<1x16xf32> to vector<16xf32>
        %add3A_147 = arith.addf %get3A_142, %get3A_146 : vector<16xf32>
        %max3A_148 = arith.constant 0.000000e+00 : f32
        %max3A_149 = vector.broadcast %max3A_148 : f32 to vector<16xf32>
        %max3A_150 = arith.maximumf %add3A_147, %max3A_149 : vector<16xf32>
        %mul3A_151 = arith.mulf %max3A_150, %get3A_86 : vector<16xf32>
        %swap3A_152 = arith.index_cast %scan3A_82 : i32 to index
        %swap3A_153 = arith.constant 48 : index
        %swap3A_154 = tpu.vector_load %arg8[%swap3A_152, %swap3A_153] {strides = array<i32>} : memref<128x128xf32, #tpu.memory_space<vmem>>, vector<1x16xf32>,
        %swap3A_155 = vector.shape_cast %swap3A_154 : vector<1x16xf32> to vector<16xf32>
        %swap3A_156 = vector.shape_cast %mul3A_151 : vector<16xf32> to vector<1x16xf32>
        tpu.vector_store %arg8[%swap3A_152, %swap3A_153], %swap3A_156 {strides = array<i32>} : memref<128x128xf32, #tpu.memory_space<vmem>>, vector<1x16xf32>,
        %get3A_157 = arith.index_cast %scan3A_82 : i32 to index
        %get3A_158 = arith.constant 64 : index
        %get3A_159 = tpu.vector_load %arg8[%get3A_157, %get3A_158] {strides = array<i32>} : memref<128x128xf32, #tpu.memory_space<vmem>>, vector<1x16xf32>,
        %get3A_160 = vector.shape_cast %get3A_159 : vector<1x16xf32> to vector<16xf32>
        %get3A_161 = arith.index_cast %scan3A_82 : i32 to index
        %get3A_162 = arith.constant 64 : index
        %get3A_163 = tpu.vector_load %arg9[%get3A_161, %get3A_162] {strides = array<i32>} : memref<128x128xf32, #tpu.memory_space<vmem>>, vector<1x16xf32>,
        %get3A_164 = vector.shape_cast %get3A_163 : vector<1x16xf32> to vector<16xf32>
        %add3A_165 = arith.addf %get3A_160, %get3A_164 : vector<16xf32>
        %max3A_166 = arith.constant 0.000000e+00 : f32
        %max3A_167 = vector.broadcast %max3A_166 : f32 to vector<16xf32>
        %max3A_168 = arith.maximumf %add3A_165, %max3A_167 : vector<16xf32>
        %mul3A_169 = arith.mulf %max3A_168, %get3A_86 : vector<16xf32>
        %swap3A_170 = arith.index_cast %scan3A_82 : i32 to index
        %swap3A_171 = arith.constant 64 : index
        %swap3A_172 = tpu.vector_load %arg8[%swap3A_170, %swap3A_171] {strides = array<i32>} : memref<128x128xf32, #tpu.memory_space<vmem>>, vector<1x16xf32>,
        %swap3A_173 = vector.shape_cast %swap3A_172 : vector<1x16xf32> to vector<16xf32>
        %swap3A_174 = vector.shape_cast %mul3A_169 : vector<16xf32> to vector<1x16xf32>
        tpu.vector_store %arg8[%swap3A_170, %swap3A_171], %swap3A_174 {strides = array<i32>} : memref<128x128xf32, #tpu.memory_space<vmem>>, vector<1x16xf32>,
        %get3A_175 = arith.index_cast %scan3A_82 : i32 to index
        %get3A_176 = arith.constant 80 : index
        %get3A_177 = tpu.vector_load %arg8[%get3A_175, %get3A_176] {strides = array<i32>} : memref<128x128xf32, #tpu.memory_space<vmem>>, vector<1x16xf32>,
        %get3A_178 = vector.shape_cast %get3A_177 : vector<1x16xf32> to vector<16xf32>
        %get3A_179 = arith.index_cast %scan3A_82 : i32 to index
        %get3A_180 = arith.constant 80 : index
        %get3A_181 = tpu.vector_load %arg9[%get3A_179, %get3A_180] {strides = array<i32>} : memref<128x128xf32, #tpu.memory_space<vmem>>, vector<1x16xf32>,
        %get3A_182 = vector.shape_cast %get3A_181 : vector<1x16xf32> to vector<16xf32>
        %add3A_183 = arith.addf %get3A_178, %get3A_182 : vector<16xf32>
        %max3A_184 = arith.constant 0.000000e+00 : f32
        %max3A_185 = vector.broadcast %max3A_184 : f32 to vector<16xf32>
        %max3A_186 = arith.maximumf %add3A_183, %max3A_185 : vector<16xf32>
        %mul3A_187 = arith.mulf %max3A_186, %get3A_86 : vector<16xf32>
        %swap3A_188 = arith.index_cast %scan3A_82 : i32 to index
        %swap3A_189 = arith.constant 80 : index
        %swap3A_190 = tpu.vector_load %arg8[%swap3A_188, %swap3A_189] {strides = array<i32>} : memref<128x128xf32, #tpu.memory_space<vmem>>, vector<1x16xf32>,
        %swap3A_191 = vector.shape_cast %swap3A_190 : vector<1x16xf32> to vector<16xf32>
        %swap3A_192 = vector.shape_cast %mul3A_187 : vector<16xf32> to vector<1x16xf32>
        tpu.vector_store %arg8[%swap3A_188, %swap3A_189], %swap3A_192 {strides = array<i32>} : memref<128x128xf32, #tpu.memory_space<vmem>>, vector<1x16xf32>,
        %get3A_193 = arith.index_cast %scan3A_82 : i32 to index
        %get3A_194 = arith.constant 96 : index
        %get3A_195 = tpu.vector_load %arg8[%get3A_193, %get3A_194] {strides = array<i32>} : memref<128x128xf32, #tpu.memory_space<vmem>>, vector<1x16xf32>,
        %get3A_196 = vector.shape_cast %get3A_195 : vector<1x16xf32> to vector<16xf32>
        %get3A_197 = arith.index_cast %scan3A_82 : i32 to index
        %get3A_198 = arith.constant 96 : index
        %get3A_199 = tpu.vector_load %arg9[%get3A_197, %get3A_198] {strides = array<i32>} : memref<128x128xf32, #tpu.memory_space<vmem>>, vector<1x16xf32>,
        %get3A_200 = vector.shape_cast %get3A_199 : vector<1x16xf32> to vector<16xf32>
        %add3A_201 = arith.addf %get3A_196, %get3A_200 : vector<16xf32>
        %max3A_202 = arith.constant 0.000000e+00 : f32
        %max3A_203 = vector.broadcast %max3A_202 : f32 to vector<16xf32>
        %max3A_204 = arith.maximumf %add3A_201, %max3A_203 : vector<16xf32>
        %mul3A_205 = arith.mulf %max3A_204, %get3A_86 : vector<16xf32>
        %swap3A_206 = arith.index_cast %scan3A_82 : i32 to index
        %swap3A_207 = arith.constant 96 : index
        %swap3A_208 = tpu.vector_load %arg8[%swap3A_206, %swap3A_207] {strides = array<i32>} : memref<128x128xf32, #tpu.memory_space<vmem>>, vector<1x16xf32>,
        %swap3A_209 = vector.shape_cast %swap3A_208 : vector<1x16xf32> to vector<16xf32>
        %swap3A_210 = vector.shape_cast %mul3A_205 : vector<16xf32> to vector<1x16xf32>
        tpu.vector_store %arg8[%swap3A_206, %swap3A_207], %swap3A_210 {strides = array<i32>} : memref<128x128xf32, #tpu.memory_space<vmem>>, vector<1x16xf32>,
        %get3A_211 = arith.index_cast %scan3A_82 : i32 to index
        %get3A_212 = arith.constant 112 : index
        %get3A_213 = tpu.vector_load %arg8[%get3A_211, %get3A_212] {strides = array<i32>} : memref<128x128xf32, #tpu.memory_space<vmem>>, vector<1x16xf32>,
        %get3A_214 = vector.shape_cast %get3A_213 : vector<1x16xf32> to vector<16xf32>
        %get3A_215 = arith.index_cast %scan3A_82 : i32 to index
        %get3A_216 = arith.constant 112 : index
        %get3A_217 = tpu.vector_load %arg9[%get3A_215, %get3A_216] {strides = array<i32>} : memref<128x128xf32, #tpu.memory_space<vmem>>, vector<1x16xf32>,
        %get3A_218 = vector.shape_cast %get3A_217 : vector<1x16xf32> to vector<16xf32>
        %add3A_219 = arith.addf %get3A_214, %get3A_218 : vector<16xf32>
        %max3A_220 = arith.constant 0.000000e+00 : f32
        %max3A_221 = vector.broadcast %max3A_220 : f32 to vector<16xf32>
        %max3A_222 = arith.maximumf %add3A_219, %max3A_221 : vector<16xf32>
        %mul3A_223 = arith.mulf %max3A_222, %get3A_86 : vector<16xf32>
        %swap3A_224 = arith.index_cast %scan3A_82 : i32 to index
        %swap3A_225 = arith.constant 112 : index
        %swap3A_226 = tpu.vector_load %arg8[%swap3A_224, %swap3A_225] {strides = array<i32>} : memref<128x128xf32, #tpu.memory_space<vmem>>, vector<1x16xf32>,
        %swap3A_227 = vector.shape_cast %swap3A_226 : vector<1x16xf32> to vector<16xf32>
        %swap3A_228 = vector.shape_cast %mul3A_223 : vector<16xf32> to vector<1x16xf32>
        tpu.vector_store %arg8[%swap3A_224, %swap3A_225], %swap3A_228 {strides = array<i32>} : memref<128x128xf32, #tpu.memory_space<vmem>>, vector<1x16xf32>,
        %scan3A_229 = arith.constant 0 : i32
        scf.yield %scan3A_229 : i32
      }
      %scan3A_80 = arith.constant 128 : i32
      %run_scoped3A = arith.constant 1 : i32
      "tpu.region"() ({
        %run_scoped3A_82 = tpu.sem_alloc : memref<!tpu.dma_semaphore, #tpu.memory_space<semaphore_mem>>
        %dma_start3A_83 = arith.constant 0 : i32
        %dma_start3A_84 = tpu.memref_slice %arg7[%run_scoped3A, %dma_start3A_83] : memref<2x128xi32, #tpu.memory_space<vmem>> -> memref<1x128xi32, #tpu.memory_space<vmem>>
        %dma_start3A_85 = tpu.memref_squeeze %dma_start3A_84 : memref<1x128xi32, #tpu.memory_space<vmem>> -> memref<128xi32, #tpu.memory_space<vmem>>
        %dma_start3A_86 = arith.constant 0 : i32
        %dma_start3A_87 = arith.constant 0 : i32
        %dma_start3A_88 = tpu.memref_slice %arg14[%dma_start3A_86, %dma_start3A_87] : memref<10112x128xf32, #tpu.memory_space<vmem_shared>> -> memref<10112x128xf32, #tpu.memory_space<vmem_shared>>
        tpu.enqueue_indirect_dma source(%arg8 : memref<128x128xf32, #tpu.memory_space<vmem>>) target(%dma_start3A_88 : memref<10112x128xf32, #tpu.memory_space<vmem_shared>>) offsets(%dma_start3A_85 : memref<128xi32, #tpu.memory_space<vmem>>) semaphore(%run_scoped3A_82 : memref<!tpu.dma_semaphore, #tpu.memory_space<semaphore_mem>>) {add = true}
        %dma_wait3A_89 = arith.constant 0 : i32
        %dma_wait3A_90 = tpu.memref_slice %arg7[%run_scoped3A, %dma_wait3A_89] : memref<2x128xi32, #tpu.memory_space<vmem>> -> memref<1x128xi32, #tpu.memory_space<vmem>>
        %dma_wait3A_91 = tpu.memref_squeeze %dma_wait3A_90 : memref<1x128xi32, #tpu.memory_space<vmem>> -> memref<128xi32, #tpu.memory_space<vmem>>
        %dma_wait3A_92 = arith.constant 0 : i32
        %dma_wait3A_93 = arith.constant 0 : i32
        %dma_wait3A_94 = tpu.memref_slice %arg14[%dma_wait3A_92, %dma_wait3A_93] : memref<10112x128xf32, #tpu.memory_space<vmem_shared>> -> memref<10112x128xf32, #tpu.memory_space<vmem_shared>>
        tpu.wait_indirect_dma semaphore(%run_scoped3A_82 : memref<!tpu.dma_semaphore, #tpu.memory_space<semaphore_mem>>) src(%arg8 : memref<128x128xf32, #tpu.memory_space<vmem>>) dst(%dma_wait3A_94 : memref<10112x128xf32, #tpu.memory_space<vmem_shared>>)
        tpu.yield
      }) : () -> ()
      %scan3A_81 = arith.constant 0 : i32
      scf.yield %scan3A_81 : i32
    }
    %scan3A_27 = arith.constant 79 : i32
    %barrier3A_28 = arith.constant 0 : index
    tpu.barrier barrier_id(%barrier3A_28)
    %mul3A_29 = arith.constant 632 : i32
    %mul3A_30 = arith.muli %arg1, %mul3A_29 : i32
    %mul3A_31 = arith.constant 632 : i32
    %mul3A_32 = arith.muli %arg1, %mul3A_31 : i32
    "tpu.region"() ({
      %run_scoped3A = tpu.sem_alloc : memref<!tpu.dma_semaphore, #tpu.memory_space<semaphore_mem>>
      %dma_start3A = arith.constant 0 : i32
      %dma_start3A_33 = arith.constant 0 : i32
      %dma_start3A_34 = tpu.memref_slice %arg6[%arg0, %dma_start3A, %dma_start3A_33] : memref<2x10112x128xf32, #tpu.memory_space<hbm>> -> memref<1x10112x128xf32, #tpu.memory_space<hbm>>
      %dma_start3A_35 = tpu.memref_squeeze %dma_start3A_34 : memref<1x10112x128xf32, #tpu.memory_space<hbm>> -> memref<10112x128xf32, #tpu.memory_space<hbm>>
      %dma_start3A_36 = arith.constant 0 : i32
      %dma_start3A_37 = tpu.memref_slice %dma_start3A_35[%mul3A_32, %dma_start3A_36] : memref<10112x128xf32, #tpu.memory_space<hbm>> -> memref<632x128xf32, #tpu.memory_space<hbm>>
      %dma_start3A_38 = arith.constant 0 : i32
      %dma_start3A_39 = tpu.memref_slice %arg14[%mul3A_30, %dma_start3A_38] : memref<10112x128xf32, #tpu.memory_space<vmem_shared>> -> memref<632x128xf32, #tpu.memory_space<vmem_shared>>
      tpu.enqueue_dma source(%dma_start3A_39 : memref<632x128xf32, #tpu.memory_space<vmem_shared>>) target(%dma_start3A_37 : memref<632x128xf32, #tpu.memory_space<hbm>>) target_semaphore(%run_scoped3A : memref<!tpu.dma_semaphore, #tpu.memory_space<semaphore_mem>>)
      %dma_wait3A = arith.constant 0 : i32
      %dma_wait3A_40 = arith.constant 0 : i32
      %dma_wait3A_41 = tpu.memref_slice %arg6[%arg0, %dma_wait3A, %dma_wait3A_40] : memref<2x10112x128xf32, #tpu.memory_space<hbm>> -> memref<1x10112x128xf32, #tpu.memory_space<hbm>>
      %dma_wait3A_42 = tpu.memref_squeeze %dma_wait3A_41 : memref<1x10112x128xf32, #tpu.memory_space<hbm>> -> memref<10112x128xf32, #tpu.memory_space<hbm>>
      %dma_wait3A_43 = arith.constant 0 : i32
      %dma_wait3A_44 = tpu.memref_slice %dma_wait3A_42[%mul3A_32, %dma_wait3A_43] : memref<10112x128xf32, #tpu.memory_space<hbm>> -> memref<632x128xf32, #tpu.memory_space<hbm>>
      %dma_wait3A_45 = arith.constant 0 : i32
      %dma_wait3A_46 = tpu.memref_slice %arg14[%mul3A_30, %dma_wait3A_45] : memref<10112x128xf32, #tpu.memory_space<vmem_shared>> -> memref<632x128xf32, #tpu.memory_space<vmem_shared>>
      tpu.wait_dma2 semaphore(%run_scoped3A : memref<!tpu.dma_semaphore, #tpu.memory_space<semaphore_mem>>) src(%dma_wait3A_46 : memref<632x128xf32, #tpu.memory_space<vmem_shared>>) dst(%dma_wait3A_44 : memref<632x128xf32, #tpu.memory_space<hbm>>)
      tpu.yield
    }) : () -> ()
    return
  }
}

module attributes {stable_mosaic.version = 14 : i64} {
  func.func @body(%arg0: i32, %arg1: memref<4096x8xf32, #tpu.memory_space<vmem>>, %arg2: memref<8x128xf32, #tpu.memory_space<vmem>>, %arg3: memref<1x128xf32, #tpu.memory_space<vmem>>, %arg4: memref<4096x128xf32, #tpu.memory_space<vmem>>) attributes {dimension_semantics = [#tpu.dimension_semantics<arbitrary>], iteration_bounds = array<i64: 79>, scalar_prefetch = 0 : i64, scratch_operands = 0 : i64, tpu.core_type = #tpu.core_type<tc>, window_params = [{transform_indices = @transform_0, window_bounds = array<i64: 4096, 8>}, {pipeline_mode = #tpu.pipeline_mode<synchronous>, transform_indices = @transform_1, window_bounds = array<i64: 8, 128>}, {pipeline_mode = #tpu.pipeline_mode<synchronous>, transform_indices = @transform_2, window_bounds = array<i64: 1, 128>}, {transform_indices = @transform_3, window_bounds = array<i64: 4096, 128>}]} {
    %get3A = arith.constant 0 : index
    %get3A_0 = arith.constant 0 : index
    %get3A_1 = vector.load %arg1[%get3A, %get3A_0] : memref<4096x8xf32, #tpu.memory_space<vmem>>, vector<4096x8xf32>
    %get3A_2 = arith.constant 0 : index
    %get3A_3 = arith.constant 0 : index
    %get3A_4 = vector.load %arg2[%get3A_2, %get3A_3] : memref<8x128xf32, #tpu.memory_space<vmem>>, vector<8x128xf32>
    %dot_general3A = arith.constant dense<0.000000e+00> : vector<4096x128xf32>
    %dot_general3A_5 = tpu.matmul %get3A_1, %get3A_4, %dot_general3A {dimension_numbers = #tpu.dot_dimension_numbers<[1], [0], [0], [1], [0, 0, 1, 1], [], []>, transpose_lhs_hint = false} : vector<4096x8xf32>, vector<8x128xf32>, vector<4096x128xf32> -> vector<4096x128xf32>
    %get3A_6 = arith.constant 0 : index
    %get3A_7 = arith.constant 0 : index
    %get3A_8 = vector.load %arg3[%get3A_6, %get3A_7] : memref<1x128xf32, #tpu.memory_space<vmem>>, vector<1x128xf32>
    %add3A = vector.broadcast %get3A_8 : vector<1x128xf32> to vector<4096x128xf32>
    %add3A_9 = arith.addf %dot_general3A_5, %add3A : vector<4096x128xf32>
    %swap3A = arith.constant 0 : index
    %swap3A_10 = arith.constant 0 : index
    %swap3A_11 = vector.load %arg4[%swap3A, %swap3A_10] : memref<4096x128xf32, #tpu.memory_space<vmem>>, vector<4096x128xf32>
    tpu.vector_store %arg4[%swap3A, %swap3A_10], %add3A_9 {strides = array<i32>} : memref<4096x128xf32, #tpu.memory_space<vmem>>, vector<4096x128xf32>,
    return
  }
  func.func @transform_0(%arg0: i32) -> (i32, i32) {
    %c0_i32 = arith.constant 0 : i32
    %c0_i32_0 = arith.constant 0 : i32
    return %arg0, %c0_i32 : i32, i32
  }
  func.func @transform_1(%arg0: i32) -> (i32, i32) {
    %c0_i32 = arith.constant 0 : i32
    %c0_i32_0 = arith.constant 0 : i32
    %c0_i32_1 = arith.constant 0 : i32
    return %c0_i32, %c0_i32_0 : i32, i32
  }
  func.func @transform_2(%arg0: i32) -> (i32, i32) {
    %c0_i32 = arith.constant 0 : i32
    %c0_i32_0 = arith.constant 0 : i32
    %c0_i32_1 = arith.constant 0 : i32
    return %c0_i32, %c0_i32_0 : i32, i32
  }
  func.func @transform_3(%arg0: i32) -> (i32, i32) {
    %c0_i32 = arith.constant 0 : i32
    %c0_i32_0 = arith.constant 0 : i32
    return %arg0, %c0_i32 : i32, i32
  }
}

module attributes {stable_mosaic.version = 14 : i64} {
  func.func @body(%arg0: memref<10112x128xf32, #tpu.memory_space<vmem>>, %arg1: memref<128x128xf32, #tpu.memory_space<vmem>>, %arg2: memref<1x128xf32, #tpu.memory_space<vmem>>, %arg3: memref<10112x128xf32, #tpu.memory_space<vmem>>) attributes {dimension_semantics = [], scalar_prefetch = 0 : i64, scratch_operands = 0 : i64, tpu.core_type = #tpu.core_type<tc>} {
    %get3A = arith.constant 0 : index
    %get3A_0 = arith.constant 0 : index
    %get3A_1 = vector.load %arg0[%get3A, %get3A_0] : memref<10112x128xf32, #tpu.memory_space<vmem>>, vector<10112x128xf32>
    %get3A_2 = arith.constant 0 : index
    %get3A_3 = arith.constant 0 : index
    %get3A_4 = vector.load %arg1[%get3A_2, %get3A_3] : memref<128x128xf32, #tpu.memory_space<vmem>>, vector<128x128xf32>
    %dot_general3A = arith.constant dense<0.000000e+00> : vector<10112x128xf32>
    %dot_general3A_5 = tpu.matmul %get3A_1, %get3A_4, %dot_general3A {dimension_numbers = #tpu.dot_dimension_numbers<[1], [0], [0], [1], [0, 0, 1, 1], [], []>, transpose_lhs_hint = false} : vector<10112x128xf32>, vector<128x128xf32>, vector<10112x128xf32> -> vector<10112x128xf32>
    %get3A_6 = arith.constant 0 : index
    %get3A_7 = arith.constant 0 : index
    %get3A_8 = vector.load %arg2[%get3A_6, %get3A_7] : memref<1x128xf32, #tpu.memory_space<vmem>>, vector<1x128xf32>
    %add3A = vector.broadcast %get3A_8 : vector<1x128xf32> to vector<10112x128xf32>
    %add3A_9 = arith.addf %dot_general3A_5, %add3A : vector<10112x128xf32>
    %swap3A = arith.constant 0 : index
    %swap3A_10 = arith.constant 0 : index
    %swap3A_11 = vector.load %arg3[%swap3A, %swap3A_10] : memref<10112x128xf32, #tpu.memory_space<vmem>>, vector<10112x128xf32>
    tpu.vector_store %arg3[%swap3A, %swap3A_10], %add3A_9 {strides = array<i32>} : memref<10112x128xf32, #tpu.memory_space<vmem>>, vector<10112x128xf32>,
    return
  }
}

module attributes {stable_mosaic.version = 14 : i64} {
  func.func @body(%arg0: memref<2x10112x16xf32, #tpu.memory_space<vmem>>, %arg1: memref<10112x128xf32, #tpu.memory_space<vmem>>) attributes {dimension_semantics = [], scalar_prefetch = 0 : i64, scratch_operands = 0 : i64, tpu.core_type = #tpu.core_type<tc>} {
    %get3A = arith.constant 0 : index
    %get3A_0 = arith.constant 0 : index
    %get3A_1 = arith.constant 0 : index
    %get3A_2 = vector.load %arg0[%get3A, %get3A_0, %get3A_1] : memref<2x10112x16xf32, #tpu.memory_space<vmem>>, vector<1x10112x1xf32>
    %get3A_3 = vector.shape_cast %get3A_2 : vector<1x10112x1xf32> to vector<10112x1xf32>
    %get3A_4 = arith.constant 1 : index
    %get3A_5 = arith.constant 0 : index
    %get3A_6 = arith.constant 0 : index
    %get3A_7 = vector.load %arg0[%get3A_4, %get3A_5, %get3A_6] : memref<2x10112x16xf32, #tpu.memory_space<vmem>>, vector<1x10112x1xf32>
    %get3A_8 = vector.shape_cast %get3A_7 : vector<1x10112x1xf32> to vector<10112x1xf32>
    %add3A = arith.addf %get3A_3, %get3A_8 : vector<10112x1xf32>
    %add3A_9 = arith.constant 1.000000e+00 : f32
    %add3A_10 = vector.broadcast %add3A_9 : f32 to vector<10112x1xf32>
    %add3A_11 = arith.addf %add3A, %add3A_10 : vector<10112x1xf32>
    %rsqrt3A = math.rsqrt %add3A_11 : vector<10112x1xf32>
    %broadcast_in_dim3A = vector.shape_cast %rsqrt3A : vector<10112x1xf32> to vector<10112x1xf32>
    %broadcast_in_dim3A_12 = vector.broadcast %broadcast_in_dim3A : vector<10112x1xf32> to vector<10112x128xf32>
    %swap3A = arith.constant 0 : index
    %swap3A_13 = arith.constant 0 : index
    %swap3A_14 = vector.load %arg1[%swap3A, %swap3A_13] : memref<10112x128xf32, #tpu.memory_space<vmem>>, vector<10112x128xf32>
    tpu.vector_store %arg1[%swap3A, %swap3A_13], %broadcast_in_dim3A_12 {strides = array<i32>} : memref<10112x128xf32, #tpu.memory_space<vmem>>, vector<10112x128xf32>,
    return
  }
}

module attributes {stable_mosaic.version = 14 : i64} {
  func.func @body(%arg0: memref<2x10112x128xf32, #tpu.memory_space<vmem>>, %arg1: memref<10112x128xf32, #tpu.memory_space<vmem>>, %arg2: memref<2x10112x16xf32, #tpu.memory_space<vmem>>, %arg3: memref<1x128xf32, #tpu.memory_space<vmem>>, %arg4: memref<128x128xf32, #tpu.memory_space<vmem>>, %arg5: memref<1x128xf32, #tpu.memory_space<vmem>>, %arg6: memref<10112x128xf32, #tpu.memory_space<vmem>>) attributes {dimension_semantics = [], scalar_prefetch = 0 : i64, scratch_operands = 0 : i64, tpu.core_type = #tpu.core_type<tc>} {
    %get3A = arith.constant 0 : index
    %get3A_0 = arith.constant 0 : index
    %get3A_1 = arith.constant 0 : index
    %get3A_2 = vector.load %arg2[%get3A, %get3A_0, %get3A_1] : memref<2x10112x16xf32, #tpu.memory_space<vmem>>, vector<1x10112x1xf32>
    %get3A_3 = vector.shape_cast %get3A_2 : vector<1x10112x1xf32> to vector<10112x1xf32>
    %get3A_4 = arith.constant 1 : index
    %get3A_5 = arith.constant 0 : index
    %get3A_6 = arith.constant 0 : index
    %get3A_7 = vector.load %arg2[%get3A_4, %get3A_5, %get3A_6] : memref<2x10112x16xf32, #tpu.memory_space<vmem>>, vector<1x10112x1xf32>
    %get3A_8 = vector.shape_cast %get3A_7 : vector<1x10112x1xf32> to vector<10112x1xf32>
    %add3A = arith.addf %get3A_3, %get3A_8 : vector<10112x1xf32>
    %add3A_9 = arith.constant 1.000000e+00 : f32
    %add3A_10 = vector.broadcast %add3A_9 : f32 to vector<10112x1xf32>
    %add3A_11 = arith.addf %add3A, %add3A_10 : vector<10112x1xf32>
    %rsqrt3A = math.rsqrt %add3A_11 : vector<10112x1xf32>
    %get3A_12 = arith.constant 0 : index
    %get3A_13 = arith.constant 0 : index
    %get3A_14 = arith.constant 0 : index
    %get3A_15 = vector.load %arg0[%get3A_12, %get3A_13, %get3A_14] : memref<2x10112x128xf32, #tpu.memory_space<vmem>>, vector<1x10112x128xf32>
    %get3A_16 = vector.shape_cast %get3A_15 : vector<1x10112x128xf32> to vector<10112x128xf32>
    %get3A_17 = arith.constant 1 : index
    %get3A_18 = arith.constant 0 : index
    %get3A_19 = arith.constant 0 : index
    %get3A_20 = vector.load %arg0[%get3A_17, %get3A_18, %get3A_19] : memref<2x10112x128xf32, #tpu.memory_space<vmem>>, vector<1x10112x128xf32>
    %get3A_21 = vector.shape_cast %get3A_20 : vector<1x10112x128xf32> to vector<10112x128xf32>
    %add3A_22 = arith.addf %get3A_16, %get3A_21 : vector<10112x128xf32>
    %mul3A = vector.broadcast %rsqrt3A : vector<10112x1xf32> to vector<10112x128xf32>
    %mul3A_23 = arith.mulf %add3A_22, %mul3A : vector<10112x128xf32>
    %get3A_24 = arith.constant 0 : index
    %get3A_25 = arith.constant 0 : index
    %get3A_26 = vector.load %arg1[%get3A_24, %get3A_25] : memref<10112x128xf32, #tpu.memory_space<vmem>>, vector<10112x128xf32>
    %get3A_27 = arith.constant 0 : index
    %get3A_28 = arith.constant 0 : index
    %get3A_29 = vector.load %arg3[%get3A_27, %get3A_28] : memref<1x128xf32, #tpu.memory_space<vmem>>, vector<1x128xf32>
    %add3A_30 = vector.broadcast %get3A_29 : vector<1x128xf32> to vector<10112x128xf32>
    %add3A_31 = arith.addf %get3A_26, %add3A_30 : vector<10112x128xf32>
    %max3A = arith.constant 0.000000e+00 : f32
    %max3A_32 = vector.broadcast %max3A : f32 to vector<10112x128xf32>
    %max3A_33 = arith.maximumf %add3A_31, %max3A_32 : vector<10112x128xf32>
    %div3A = vector.broadcast %add3A_11 : vector<10112x1xf32> to vector<10112x128xf32>
    %div3A_34 = arith.divf %max3A_33, %div3A : vector<10112x128xf32>
    %add3A_35 = arith.addf %mul3A_23, %div3A_34 : vector<10112x128xf32>
    %max3A_36 = arith.constant 0.000000e+00 : f32
    %max3A_37 = vector.broadcast %max3A_36 : f32 to vector<10112x128xf32>
    %max3A_38 = arith.maximumf %add3A_35, %max3A_37 : vector<10112x128xf32>
    %get3A_39 = arith.constant 0 : index
    %get3A_40 = arith.constant 0 : index
    %get3A_41 = vector.load %arg4[%get3A_39, %get3A_40] : memref<128x128xf32, #tpu.memory_space<vmem>>, vector<128x128xf32>
    %dot_general3A = arith.constant dense<0.000000e+00> : vector<10112x128xf32>
    %dot_general3A_42 = tpu.matmul %max3A_38, %get3A_41, %dot_general3A {dimension_numbers = #tpu.dot_dimension_numbers<[1], [0], [0], [1], [0, 0, 1, 1], [], []>, transpose_lhs_hint = false} : vector<10112x128xf32>, vector<128x128xf32>, vector<10112x128xf32> -> vector<10112x128xf32>
    %get3A_43 = arith.constant 0 : index
    %get3A_44 = arith.constant 0 : index
    %get3A_45 = vector.load %arg5[%get3A_43, %get3A_44] : memref<1x128xf32, #tpu.memory_space<vmem>>, vector<1x128xf32>
    %add3A_46 = vector.broadcast %get3A_45 : vector<1x128xf32> to vector<10112x128xf32>
    %add3A_47 = arith.addf %dot_general3A_42, %add3A_46 : vector<10112x128xf32>
    %swap3A = arith.constant 0 : index
    %swap3A_48 = arith.constant 0 : index
    %swap3A_49 = vector.load %arg6[%swap3A, %swap3A_48] : memref<10112x128xf32, #tpu.memory_space<vmem>>, vector<10112x128xf32>
    tpu.vector_store %arg6[%swap3A, %swap3A_48], %add3A_47 {strides = array<i32>} : memref<10112x128xf32, #tpu.memory_space<vmem>>, vector<10112x128xf32>,
    return
  }
}

module attributes {stable_mosaic.version = 14 : i64} {
  func.func @body(%arg0: memref<2x10112x128xf32, #tpu.memory_space<vmem>>, %arg1: memref<10112x128xf32, #tpu.memory_space<vmem>>, %arg2: memref<2x10112x16xf32, #tpu.memory_space<vmem>>, %arg3: memref<1x128xf32, #tpu.memory_space<vmem>>, %arg4: memref<10112x128xf32, #tpu.memory_space<vmem>>) attributes {dimension_semantics = [], scalar_prefetch = 0 : i64, scratch_operands = 0 : i64, tpu.core_type = #tpu.core_type<tc>} {
    %get3A = arith.constant 0 : index
    %get3A_0 = arith.constant 0 : index
    %get3A_1 = arith.constant 0 : index
    %get3A_2 = vector.load %arg2[%get3A, %get3A_0, %get3A_1] : memref<2x10112x16xf32, #tpu.memory_space<vmem>>, vector<1x10112x1xf32>
    %get3A_3 = vector.shape_cast %get3A_2 : vector<1x10112x1xf32> to vector<10112x1xf32>
    %get3A_4 = arith.constant 1 : index
    %get3A_5 = arith.constant 0 : index
    %get3A_6 = arith.constant 0 : index
    %get3A_7 = vector.load %arg2[%get3A_4, %get3A_5, %get3A_6] : memref<2x10112x16xf32, #tpu.memory_space<vmem>>, vector<1x10112x1xf32>
    %get3A_8 = vector.shape_cast %get3A_7 : vector<1x10112x1xf32> to vector<10112x1xf32>
    %add3A = arith.addf %get3A_3, %get3A_8 : vector<10112x1xf32>
    %add3A_9 = arith.constant 1.000000e+00 : f32
    %add3A_10 = vector.broadcast %add3A_9 : f32 to vector<10112x1xf32>
    %add3A_11 = arith.addf %add3A, %add3A_10 : vector<10112x1xf32>
    %rsqrt3A = math.rsqrt %add3A_11 : vector<10112x1xf32>
    %get3A_12 = arith.constant 0 : index
    %get3A_13 = arith.constant 0 : index
    %get3A_14 = arith.constant 0 : index
    %get3A_15 = vector.load %arg0[%get3A_12, %get3A_13, %get3A_14] : memref<2x10112x128xf32, #tpu.memory_space<vmem>>, vector<1x10112x128xf32>
    %get3A_16 = vector.shape_cast %get3A_15 : vector<1x10112x128xf32> to vector<10112x128xf32>
    %get3A_17 = arith.constant 1 : index
    %get3A_18 = arith.constant 0 : index
    %get3A_19 = arith.constant 0 : index
    %get3A_20 = vector.load %arg0[%get3A_17, %get3A_18, %get3A_19] : memref<2x10112x128xf32, #tpu.memory_space<vmem>>, vector<1x10112x128xf32>
    %get3A_21 = vector.shape_cast %get3A_20 : vector<1x10112x128xf32> to vector<10112x128xf32>
    %add3A_22 = arith.addf %get3A_16, %get3A_21 : vector<10112x128xf32>
    %mul3A = vector.broadcast %rsqrt3A : vector<10112x1xf32> to vector<10112x128xf32>
    %mul3A_23 = arith.mulf %add3A_22, %mul3A : vector<10112x128xf32>
    %get3A_24 = arith.constant 0 : index
    %get3A_25 = arith.constant 0 : index
    %get3A_26 = vector.load %arg1[%get3A_24, %get3A_25] : memref<10112x128xf32, #tpu.memory_space<vmem>>, vector<10112x128xf32>
    %get3A_27 = arith.constant 0 : index
    %get3A_28 = arith.constant 0 : index
    %get3A_29 = vector.load %arg3[%get3A_27, %get3A_28] : memref<1x128xf32, #tpu.memory_space<vmem>>, vector<1x128xf32>
    %add3A_30 = vector.broadcast %get3A_29 : vector<1x128xf32> to vector<10112x128xf32>
    %add3A_31 = arith.addf %get3A_26, %add3A_30 : vector<10112x128xf32>
    %max3A = arith.constant 0.000000e+00 : f32
    %max3A_32 = vector.broadcast %max3A : f32 to vector<10112x128xf32>
    %max3A_33 = arith.maximumf %add3A_31, %max3A_32 : vector<10112x128xf32>
    %div3A = vector.broadcast %add3A_11 : vector<10112x1xf32> to vector<10112x128xf32>
    %div3A_34 = arith.divf %max3A_33, %div3A : vector<10112x128xf32>
    %add3A_35 = arith.addf %mul3A_23, %div3A_34 : vector<10112x128xf32>
    %swap3A = arith.constant 0 : index
    %swap3A_36 = arith.constant 0 : index
    %swap3A_37 = vector.load %arg4[%swap3A, %swap3A_36] : memref<10112x128xf32, #tpu.memory_space<vmem>>, vector<10112x128xf32>
    tpu.vector_store %arg4[%swap3A, %swap3A_36], %add3A_35 {strides = array<i32>} : memref<10112x128xf32, #tpu.memory_space<vmem>>, vector<10112x128xf32>,
    return
  }
}

</mosaic_0001>

<sc_bundles>
// kernel: kernel.11.cloned.1.call-start
scs
__scs_entry_jumppad:
0x0: {  	(pc) =	sbr.rel $0x88, $3  }
0x1: {  	(tag) =	ssettag $0x0;
	lr =	simm.s32 $0x1  }
0x2: {  	[smem:$0x3F8F] =	sst lr;
	_ =	strace $0xD0000000  }
0x3: {  	_ = 	snop  }
0x4: {  	_ = 	snop  }
0x5: {  	_ = 	snop  }
0x6: {  	_ = 	snop  }
0x7: {  	_ = 	snop  }
__scs_overlays_trampoline_lowered:
0x8: {  	[smem:$0x3F9E] =	sst s0  }
0x9: {  	[smem:$0x3F9F] =	sst s1  }
0xa: {  	[smem:$0x3FA0] =	sst s2  }
0xb: {  	[smem:$0x3FA1] =	sst s3  }
0xc: {  	[smem:$0x3FA2] =	sst s4  }
0xd: {  	[smem:$0x3FA3] =	sst s5  }
0xe: {  	[smem:$0x3FA4] =	sst s6  }
0xf: {  	[smem:$0x3FA5] =	sst s7  }
0x10: {  	[smem:$0x3FA6] =	sst s8  }
0x11: {  	[smem:$0x3FA7] =	sst s9;
	s0 =	simm.s32 @!p0 $0x0  }
0x12: {  	s1 =	sld [smem:$0x3F8D];
	s0 =	simm.s32 @p0 $0x1  }
0x13: {  	[smem:$0x3FA8] =	sst s0;
	s0 =	simm.s32 @!p1 $0x0  }
0x14: {  	s2 =	sld [smem:$0x3F8C];
	s0 =	simm.s32 @p1 $0x1  }
0x15: {  	[smem:$0x3FA9] =	sst s0;
	s0 =	simm.s32 @!p2 $0x0  }
0x16: {  	s3 =	sld [smem:$0x3FDB];
	s0 =	simm.s32 @p2 $0x1  }
0x17: {  	s4 =	simm.s32 $0x1BF5;
	[smem:$0x3FAB] =	sst s0  }
0x18: {  	s0 =	sld [smem:$0x3F8E];
	_ =	swait.ge [sflag:s4], $0x0  }
0x19: {  	s7 =	sld [smem:$0x3F8F]  }
0x1a: {  	s8 =	sadd.s32 $0xFFFFE003, lr  }
0x1b: {  	s9 =	sadd.s32 $0xFFFFFEF7, lr;
	s5 =	simm.s32 $0xFFFFFFFF;
	p2 =	slt.u32 s8, $0xFFFFF086  }
0x1c: {  	p1 =	slt.u32 s9, $0xF7A;
	s5 =	simm.s32 @!p2 $0x0  }
0x1d: {  	s5 =	simm.s32 @p1 $0x1;
	p0 =	seq.s32 s7, s2  }
0x1e: {  	s7 =	smul.u32 @!p0 $0xF7A, s2;
	p2 =	seq.s32 @!p0 s5, $0x0  }
0x1f: {  	s9 =	smul.u32 $0xF7A, s1;
	s8 =	simm.s32 @!p0 $0x1BF5;
	p2 =	por !p2, p0  }
0x20: {  	[sflag:s8] =	ssyncset.s32 @!p0 $0xFFFFF086;
	s6 =	sadd.s32 @!p0 s3, s7;
	s7 =	simm.s32 @!p0 $0x108  }
0x21: {  	s3 =	sadd.s32 s3, s9;
	s6 =	sadd.s32 @!p0 $0x88, s6;
	s7 =	simm.s32 @p2 $0x1082  }
0x22: {  	[simem:s7], [sflag:s8] =	dma.local @!p0 [hbm:s6], $0xF7A  }
0x23: {  	s9 =	sor.u32 $0xD0000000, s2;
	s6 =	simm.s32 $0x108;
	_ =	swait.ge @!p0 [sflag:s8], $0x0  }
0x24: {  	s3 =	sadd.s32 $0x88, s3;
	s6 =	simm.s32 @!p1 $0x1082;
	[sflag:s4] =	ssyncset.s32 $0xFFFFF086  }
0x25: {  	[simem:s6], [sflag:s4] =	dma.local [hbm:s3], $0xF7A  }
0x26: {  	[smem:$0x3F8F] =	sst s1;
	(tag) =	ssettag s2;
	_ =	strace s9  }
0x27: {  	s1 =	sld [smem:$0x3F9F]  }
0x28: {  	s2 =	sld [smem:$0x3FA0]  }
0x29: {  	s4 =	sld [smem:$0x3FA2]  }
0x2a: {  	p0 =	seq.s32 s5, $0x0;
	s5 =	sld [smem:$0x3FA3]  }
0x2b: {  	s6 =	sld [smem:$0x3FA4]  }
0x2c: {  	s7 =	sld [smem:$0x3FA5]  }
0x2d: {  	s3 =	simm.s32 $0x108;
	s8 =	sld [smem:$0x3FA6]  }
0x2e: {  	s3 =	simm.s32 @!p0 $0x1082;
	s9 =	sld [smem:$0x3FA7]  }
0x2f: {  	lr =	sadd.s32 s0, s3;
	s0 =	sld [smem:$0x3F9E]  }
0x30: {  	s3 =	sld [smem:$0x3FA1]  }
0x31: {  	[smem:$0x3FAA] =	sst s10  }
0x32: {  	s10 =	sld [smem:$0x3FA8];
	_ =	sdelay $0x3  }
0x33: {  	p0 =	seq.s32 s10, $0x1;
	s10 =	sld [smem:$0x3FAA];
	_ =	sdelay $0x3  }
0x34: {  	[smem:$0x3FAA] =	sst s10  }
0x35: {  	s10 =	sld [smem:$0x3FA9];
	_ =	sdelay $0x3  }
0x36: {  	p1 =	seq.s32 s10, $0x1;
	s10 =	sld [smem:$0x3FAA];
	_ =	sdelay $0x3  }
0x37: {  	[smem:$0x3FAA] =	sst s10  }
0x38: {  	s10 =	sld [smem:$0x3FAB]  }
0x39: {  	_ = 	snop;
	(pc) =	sbr.ind lr, $3  }
0x3a: {  	_ = 	snop  }
0x3b: {  	_ = 	snop  }
0x3c: {  	p2 =	seq.s32 s10, $0x1;
	s10 =	sld [smem:$0x3FAA]  }
0x3d: {  	_ =	shalt  }
0x3e: {  	_ =	shalt  }
0x3f: {  	_ =	shalt  }
0x40: {  	_ =	shalt  }
0x41: {  	_ =	shalt  }
0x42: {  	_ =	shalt  }
0x43: {  	_ =	shalt  }
0x44: {  	_ =	shalt  }
0x45: {  	_ =	shalt  }
0x46: {  	_ =	shalt  }
0x47: {  	_ =	shalt  }
0x48: {  	_ =	shalt  }
0x49: {  	_ =	shalt  }
0x4a: {  	_ =	shalt  }
0x4b: {  	_ =	shalt  }
0x4c: {  	_ =	shalt  }
0x4d: {  	_ =	shalt  }
0x4e: {  	_ =	shalt  }
0x4f: {  	_ =	shalt  }
0x50: {  	_ =	shalt  }
0x51: {  	_ =	shalt  }
0x52: {  	_ =	shalt  }
0x53: {  	_ =	shalt  }
0x54: {  	_ =	shalt  }
0x55: {  	_ =	shalt  }
0x56: {  	_ =	shalt  }
0x57: {  	_ =	shalt  }
0x58: {  	_ =	shalt  }
0x59: {  	_ =	shalt  }
0x5a: {  	_ =	shalt  }
0x5b: {  	_ =	shalt  }
0x5c: {  	_ =	shalt  }
0x5d: {  	_ =	shalt  }
0x5e: {  	_ =	shalt  }
0x5f: {  	_ =	shalt  }
0x60: {  	_ =	shalt  }
0x61: {  	_ =	shalt  }
0x62: {  	_ =	shalt  }
0x63: {  	_ =	shalt  }
0x64: {  	_ =	shalt  }
0x65: {  	_ =	shalt  }
0x66: {  	_ =	shalt  }
0x67: {  	_ =	shalt  }
0x68: {  	_ =	shalt  }
0x69: {  	_ =	shalt  }
0x6a: {  	_ =	shalt  }
0x6b: {  	_ =	shalt  }
0x6c: {  	_ =	shalt  }
0x6d: {  	_ =	shalt  }
0x6e: {  	_ =	shalt  }
0x6f: {  	_ =	shalt  }
0x70: {  	_ =	shalt  }
0x71: {  	_ =	shalt  }
0x72: {  	_ =	shalt  }
0x73: {  	_ =	shalt  }
0x74: {  	_ =	shalt  }
0x75: {  	_ =	shalt  }
0x76: {  	_ =	shalt  }
0x77: {  	_ =	shalt  }
0x78: {  	_ =	shalt  }
0x79: {  	_ =	shalt  }
0x7a: {  	_ =	shalt  }
0x7b: {  	_ =	shalt  }
0x7c: {  	_ =	shalt  }
0x7d: {  	_ =	shalt  }
0x7e: {  	_ =	shalt  }
0x7f: {  	_ =	shalt  }
0x80: {  	_ =	shalt  }
0x81: {  	_ =	shalt  }
0x82: {  	_ =	shalt  }
0x83: {  	_ =	shalt  }
0x84: {  	_ =	shalt  }
0x85: {  	_ =	shalt  }
0x86: {  	_ =	shalt  }
0x87: {  	_ =	shalt  }
.Lfunc_end0:
.L_simem_size_0:
called_computation_lowered:
.L_overlay_start_0:
0x88: {  	s2 =	sld [smem:$0x3FD9]  }
0x89: {  	s3 =	sld [smem:$0x3FFE];
	_ =	sdelay $0x1  }
0x8a: {  	s1 =	srdreg.scid  }
0x8b: {  	s0 =	sand.u32 $0x1, s1  }
0x8c: {  	s14 =	sshll.u32 s0, $0xA;
	s2 =	sadd.s32 s3, s2  }
0x8d: {  	s2 =	sadd.s32 s2, s14  }
0x8e: {  	[smem:$0x3FB6] =	sst s2  }
0x8f: {  	_ = 	snop  }
0x90: {  	s2 =	sld [smem:$0x3FD0];
	_ =	sdelay $0x2  }
0x91: {  	s15 =	simm.s32 $0xA;
	s4 =	simm.s32 $0x10  }
0x92: {  	[smem:s4], [sflag:s15] =	dma.local [hbm:s2], $0x1  }
0x93: {  	_ =	swait.eq [sflag:s15], $0x1  }
0x94: {  	[sflag:s15] =	ssyncset.done $0x0  }
0x95: {  	[sflag:s15] =	ssyncadd.s32 $0xFFFFFFFF  }
0x96: {  	s16 =	sld [smem:$0x11];
	(tm) =	ssettm $0x1  }
0x97: {  	s17 =	sld [smem:$0x3FFB];
	_ =	sdelay $0x3  }
0x98: {  	_ =	strace s17  }
0x99: {  	s3 =	sld [smem:$0x3FFC];
	_ =	sdelay $0x3  }
0x9a: {  	_ =	strace s3  }
0x9b: {  	s3 =	sld [smem:$0x3FFD];
	_ =	sdelay $0x3  }
0x9c: {  	_ =	strace s3  }
0x9d: {  	_ =	strace $0x8FFFFFFF  }
0x9e: {  	s18 =	sld [smem:$0x3FDB];
	_ =	sdelay $0x1  }
0x9f: {  	s19 =	simm.s32 $_scs_section_size  }
0xa0: {  	s5 =	simm.s32 $_size__tile_overlayer_lowered;
	s6 =	simm.s32 $_tile_overlayer_lowered  }
0xa1: {  	s22 =	simm.s32 $0x1BFF;
	s21 =	sshll.u32 s6, $0x1;
	s3 =	sadd.s32 s19, s18  }
0xa2: {  	s7 =	simm.s32 $0x0;
	s20 =	sshll.u32 s5, $0x1;
	s5 =	sadd.s32 s21, s3  }
0xa3: {  	[timem:s7], [sflag:s22] =	dma.local [hbm:s5], s20  }
0xa4: {  	_ =	swait.ge [sflag:s22], s20  }
0xa5: {  	s4 =	ssub.s32 $0x0, s20;
	[sflag:s22] =	ssyncset.done $0x0  }
0xa6: {  	[sflag:s22] =	ssyncadd.s32 s4;
	_ =	sdelay $0x1  }
0xa7: {  	s23 =	simm.s32 $0x1B8B  }
0xa8: {  	_ =	swait.ge [sflag:s23], $0x1  }
0xa9: {  	[sflag:s23] =	ssyncset.done $0x0  }
0xaa: {  	s25 =	simm.s32 $0x1B8E;
	s24 =	sld [smem:$0x3FFE];
	[sflag:s23] =	ssyncadd.s32 $0xFFFFFFFF  }
0xab: {  	s26 =	simm.s32 $execute0_lowered;
	[smem:$0x3FD2] =	sst s25  }
0xac: {  	s5 =	sshll.u32 s26, $0x1;
	_ =	strace $0x80000046;
	[dreg:$0x1] =	wrdreg $0xFFFFFFFF  }
0xad: {  	s28 =	simm.s32 $_size_execute0_lowered;
	s3 =	sadd.s32 s3, s5;
	[dreg:$0x0] =	wrdreg $0x0  }
0xae: {  	s5 =	sshll.u32 s28, $0x1;
	[dreg:$0x2] =	wrdreg s3  }
0xaf: {  	[dreg:$0x3] =	wrdreg s5  }
0xb0: {  	[dreg:$0x4] =	wrdreg $0xC0  }
0xb1: {  	_ =	task [dreg:s7], $0x5FFFF  }
0xb2: {  	[dreg:$0x1] =	wrdreg $0xFFFFFFFF  }
0xb3: {  	[dreg:$0x0] =	wrdreg $0x60  }
0xb4: {  	[dreg:$0x2] =	wrdreg s16  }
0xb5: {  	[dreg:$0x3] =	wrdreg s24  }
0xb6: {  	[dreg:$0x4] =	wrdreg $0x42000  }
0xb7: {  	[dreg:$0x5] =	wrdreg $0x9  }
0xb8: {  	_ =	task.clear_ibuf [dreg:s7], $0x6FFFF;
	_ =	strace $0x90000046  }
0xb9: {  	s29 =	simm.s32 $0x9;
	_ =	strace $0x80000048  }
0xba: {  	_ =	swait.ge [sflag:s29], $0x1  }
0xbb: {  	[sflag:s29] =	ssyncadd.s32 $0xFFFFFFFF  }
0xbc: {  	_ =	strace $0x90000048  }
0xbd: {  	_ =	sfence  }
0xbe: {  	s30 =	sld [smem:$0x0];
	_ =	sdelay $0x2  }
0xbf: {  	s31 =	sshll.u32 s1, $0xD;
	s1 =	sshrl.u32 s1, $0x2  }
0xc0: {  	s3 =	sand.u32 $0x4000, s31;
	s1 =	sadd.s32 s1, s30  }
0xc1: {  	s0 =	sor.u32 s3, s0;
	s1 =	sshll.u32 s1, $0x11  }
0xc2: {  	s0 =	sor.u32 s1, s0  }
0xc3: {  	s0 =	sadd.s32 $0x8F2B, s0  }
0xc4: {  	[sflag:s0] =	ssyncadd.remote.s32 $0x1  }
0xc5: {  	_ =	sfence.sel $0xFFFF  }
0xc6: {  	[dreg:$0x0] =	wrdreg $0xFFFFFFFF;
	(pc) =	sbr.abs _section_cstart, $3  }
0xc7: {  	[dreg:$0x1] =	wrdreg $0xFFFFFFFF  }
0xc8: {  	_ =	task.clear_ibuf [dreg:s7], $0x2FFFF;
	_ =	strace $0x9FFFFFFF  }
0xc9: {  	(tm) =	ssettm $0x7FFFFFFF  }
tec
execute0_lowered:
.L_overlay_start_1:
0x0: {  	(tag) =	ssettag $0x1  }
0x1: {  	s10 =	rddreg [dreg:$0x0]  }
0x2: {  	s4 =	rddreg [dreg:$0x1];
	s2 =	srdreg.scid  }
0x3: {  	s1 =	rddreg [dreg:$0x2];
	s6 =	sand.u32 $0x1, s2  }
0x4: {  	s2 =	stileid.u32;
	s5 =	smul.u32 $0x27800, s6  }
0x5: {  	s0 =	rddreg [dreg:$0x3];
	s3 =	simm.s32 $0x0;
	s7 =	smul.u32 $0x4F000, s2  }
0x6: {  	s15 =	simm.s32 $0x1;
	[smem:$0x7FF] =	sst s3;
	s13 =	smul.u32 $0x9E00, s6  }
0x7: {  	s19 =	simm.s32 $0x0;
	_ =	strace $0x80000047;
	s14 =	smul.u32 $0x9E0, s2  }
0x8: {  	s8 =	ssub.s32 $0x2, s6;
	s30 =	sshll.u32 s6, $0x4;
	s17 =	smul.u32 $0x2780, s2  }
0x9: {  	s31 =	sshll.u32 s2, $0x6;
	s28 =	sshrl.u32 s8, $0x1;
	s12 =	sor.u32 s2, s30  }
0xa: {  	s9 =	sadd.s32 s5, s4;
	s29 =	sshrl.u32 s7, $0x2;
	s11 =	ssub.s32 s8, s28  }
0xb: {  	s12 =	smul.u32 $0x9E0, s12;
	s13 =	sadd.s32 s13, s10;
	s4 =	sadd.s32 s29, s1  }
0xc: {  	s16 =	sadd.s32 $0x5000, s9;
	s13 =	sadd.s32 s14, s13;
	s9 =	smax.u32 s11, $0x1  }
0xd: {  	s14 =	simm.s32 $0x80;
	s5 =	sadd.s32 $0x4000, s4;
	s6 =	sadd.s32 $0x8000, s4  }
0xe: {  	s7 =	sadd.s32 $0xC000, s4;
	s8 =	sadd.s32 $0x10000, s4;
	s10 =	sadd.s32 s10, s12  }
0xf: {  	s11 =	sadd.s32 $0x20, s13;
	s12 =	simm.s32 $0x200;
	s13 =	simm.s32 $0x3  }
0x10: {  	v0 =	vimm.f32 $0.0e+00;
	v1 =	vimm.f32 $1.000000000e+00;
	s16 =	sadd.s32 s17, s16;
	s17 =	sor.u32 $0x1C03, s31;
	s18 =	sshrl.u32 s4, $0x3  }
.LBB2_1:
0x11: {  	s20 =	simm.s32 $0x200;
	s21 =	simm.s32 $0x0  }
.LBB2_2:
0x12: {  	p0 =	sne.s32 s20, $0xFE00;
	[tilespmem:s21+$0x200] =	vst v0;
	s21 =	smov.u32 s20;
	s20 =	sadd.s32 $0x200, s20  }
.Ltmp0:
0x13: {  	(pc) =	sbr.rel @p0 .LBB2_2-.Ltmp0, $2  }
0x14: {  	_ =	sdelay $0x2  }
0x15: {  	s21 =	sshra.s32 s21, $0x2  }
0x16: {  	[tilespmem:s21+$0x200] =	vst v0  }
0x17: {  	[spmem:s4] =	stream.linear.scatter [tilespmem:s12], [sflag:$0x3], $0x4000, $0x38;
	[tilespmem:$0x6980] =	vst v63  }
0x18: {  	_ =	swait.ge [sflag:s13], $0x4000  }
0x19: {  	[sflag:s13] =	ssyncset.done $0x0  }
0x1a: {  	[sflag:s13] =	ssyncadd.s32 $0xFFFFC000  }
0x1b: {  	[spmem:s5] =	stream.linear.scatter [tilespmem:s12], [sflag:$0x3], $0x4000, $0x38;
	[tilespmem:$0x6980] =	vst v63  }
0x1c: {  	_ =	swait.ge [sflag:s13], $0x4000  }
0x1d: {  	[sflag:s13] =	ssyncset.done $0x0  }
0x1e: {  	[sflag:s13] =	ssyncadd.s32 $0xFFFFC000  }
0x1f: {  	[spmem:s6] =	stream.linear.scatter [tilespmem:s12], [sflag:$0x3], $0x4000, $0x38;
	[tilespmem:$0x6980] =	vst v63  }
0x20: {  	_ =	swait.ge [sflag:s13], $0x4000  }
0x21: {  	[sflag:s13] =	ssyncset.done $0x0  }
0x22: {  	[sflag:s13] =	ssyncadd.s32 $0xFFFFC000  }
0x23: {  	[spmem:s7] =	stream.linear.scatter [tilespmem:s12], [sflag:$0x3], $0x4000, $0x38;
	[tilespmem:$0x6980] =	vst v63  }
0x24: {  	_ =	swait.ge [sflag:s13], $0x4000  }
0x25: {  	[sflag:s13] =	ssyncset.done $0x0  }
0x26: {  	[sflag:s13] =	ssyncadd.s32 $0xFFFFC000  }
0x27: {  	[spmem:s8] =	stream.linear.scatter [tilespmem:s12], [sflag:$0x3], $0x3C00, $0x38;
	[tilespmem:$0x6980] =	vst v63  }
0x28: {  	_ =	swait.ge [sflag:s13], $0x3C00  }
0x29: {  	[sflag:s13] =	ssyncset.done $0x0  }
0x2a: {  	[sflag:s13] =	ssyncadd.s32 $0xFFFFC400  }
0x2b: {  	s20 =	simm.s32 $0x200;
	s21 =	simm.s32 $0x0;
	[bflag:$0x0] =	sbarrier.arrive $0xFFFF  }
.LBB2_4:
0x2c: {  	p0 =	sne.s32 s20, $0xFE00;
	[tilespmem:s21+$0x200] =	vst v1;
	s21 =	smov.u32 s20;
	s20 =	sadd.s32 $0x200, s20  }
.Ltmp1:
0x2d: {  	(pc) =	sbr.rel @p0 .LBB2_4-.Ltmp1, $2  }
0x2e: {  	_ =	sdelay $0x2  }
0x2f: {  	s21 =	sshra.s32 s21, $0x2  }
0x30: {  	[tilespmem:s21+$0x200] =	vst v1;
	s20 =	simm.s32 $0x1  }
0x31: {  	[tilespmem:s3], [sflag:$0x1] =	stream.linear.gather [hbm4b:s10+s3], $0x100, $0x38;
	[tilespmem:$0x6980] =	vst v63  }
0x32: {  	s20 =	sand.u32 $0x1, s20  }
0x33: {  	s29 =	sxor.u32 $0x1, s20  }
0x34: {  	s22 =	sshll.u32 s20, $0x8;
	s20 =	sadd.s32 $0x1, s20;
	s23 =	sadd.s32 $0x1, s29  }
0x35: {  	[tilespmem:s22], [sflag:s20] =	stream.linear.gather [hbm4b:s11+s3], $0x100, $0x38;
	[tilespmem:$0x6980] =	vst v63  }
0x36: {  	_ =	swait.ge [sflag:s23], $0x100  }
0x37: {  	s31 =	simm.s32 $0x2;
	[sflag:s23] =	ssyncset.done $0x0  }
0x38: {  	s21 =	simm.s32 $0x3;
	s30 =	sshll.u32 s29, $0x8;
	[sflag:s23] =	ssyncadd.s32 $0xFFFFFF00  }
0x39: {  	[spmem:s1] =	stream.indirect.scatter.add.f32 [tilespmem:s12], [sflag:$0x3], $0x10, s30, s14, $0xb8;
	[tilespmem:$0x6980] =	vst v63  }
0x3a: {  	s22 =	sand.u32 $0x1, s31;
	s20 =	sadd.s32 $0x20, s11;
	_ =	swait.ge [sflag:s13], $0x800  }
.LBB2_6:
0x3b: {  	s23 =	sxor.u32 $0x1, s22;
	s24 =	sshll.u32 s22, $0x8  }
0x3c: {  	[sflag:s13] =	ssyncset.done $0x0;
	s25 =	smov.u32 s21;
	s22 =	sadd.s32 $0x1, s22  }
0x3d: {  	p0 =	sne.s32 s21, $0x4E;
	s26 =	sadd.s32 $0x1, s23;
	[sflag:s13] =	ssyncadd.s32 $0xFFFFF800  }
0x3e: {  	[tilespmem:s24], [sflag:s22] =	stream.linear.gather [hbm4b:s20+s3], $0x100, $0x38;
	[tilespmem:$0x6980] =	vst v63  }
.Ltmp2:
0x3f: {  	s24 =	sadd.s32 $0x1, s21;
	_ =	swait.ge [sflag:s26], $0x100;
	(pc) =	sbr.rel @p0 .LBB2_6-.Ltmp2, $4  }
0x40: {  	s21 =	sshll.u32 s23, $0x8;
	[sflag:s26] =	ssyncset.done $0x0  }
0x41: {  	s22 =	sand.u32 $0x1, s25;
	[sflag:s26] =	ssyncadd.s32 $0xFFFFFF00  }
0x42: {  	[spmem:s1] =	stream.indirect.scatter.add.f32 [tilespmem:s12], [sflag:$0x3], $0x10, s21, s14, $0xb8;
	[tilespmem:$0x6980] =	vst v63  }
0x43: {  	s20 =	sadd.s32 $0x20, s20;
	s21 =	smov.u32 s24;
	_ =	swait.ge [sflag:s13], $0x800  }
0x44: {  	s21 =	sxor.u32 $0x1, s22;
	s23 =	sshll.u32 s22, $0x8;
	[sflag:s13] =	ssyncset.done $0x0  }
0x45: {  	s30 =	sadd.s32 $0x1, s22;
	s24 =	sadd.s32 $0x1, s21;
	[sflag:s13] =	ssyncadd.s32 $0xFFFFF800  }
0x46: {  	[tilespmem:s23], [sflag:s30] =	stream.linear.gather [hbm4b:s20+s3], $0x100, $0x38;
	[tilespmem:$0x6980] =	vst v63  }
0x47: {  	_ =	swait.ge [sflag:s24], $0x100  }
0x48: {  	[sflag:s24] =	ssyncset.done $0x0  }
0x49: {  	s31 =	sshll.u32 s21, $0x8;
	[sflag:s24] =	ssyncadd.s32 $0xFFFFFF00  }
0x4a: {  	[spmem:s1] =	stream.indirect.scatter.add.f32 [tilespmem:s12], [sflag:$0x3], $0x10, s31, s14, $0xb8;
	[tilespmem:$0x6980] =	vst v63  }
0x4b: {  	_ =	swait.ge [sflag:s13], $0x800  }
0x4c: {  	[sflag:s13] =	ssyncset.done $0x0  }
0x4d: {  	[sflag:s13] =	ssyncadd.s32 $0xFFFFF800  }
0x4e: {  	_ =	swait.ge [sflag:s15], $0x100  }
0x4f: {  	[sflag:s15] =	ssyncset.done $0x0  }
0x50: {  	[sflag:s15] =	ssyncadd.s32 $0xFFFFFF00  }
0x51: {  	[spmem:s1] =	stream.indirect.scatter.add.f32 [tilespmem:s12], [sflag:$0x3], $0x10, s3, s14, $0xb8;
	[tilespmem:$0x6980] =	vst v63  }
0x52: {  	_ =	swait.ge [sflag:s13], $0x800  }
0x53: {  	s19 =	sadd.s32 $0x1, s19;
	[sflag:s13] =	ssyncset.done $0x0  }
0x54: {  	p0 =	sne.s32 s19, s9;
	[sflag:s13] =	ssyncadd.s32 $0xFFFFF800  }
.Ltmp3:
0x55: {  	[bflag:$0x0] =	sbarrier.arrive $0xFFFF;
	(pc) =	sbr.rel @p0 .LBB2_1-.Ltmp3, $4  }
0x56: {  	[hbm:s16], [sflag:s17] =	dma.local [spmem:s18], $0x2780  }
0x57: {  	_ =	swait.ge [sflag:s13], $0x2780  }
0x58: {  	[sflag:s13] =	ssyncset.done $0x0  }
0x59: {  	[sflag:s13] =	ssyncadd.s32 $0xFFFFD880  }
0x5a: {  	_ =	sfence.sel $0x180000  }
0x5b: {  	[bflag:$0x0] =	sbarrier.arrive $0xFFFF  }
0x5c: {  	p0 =	sne.s32 s2, $0x0;
	_ =	strace $0x90000047  }
0x5d: {  	s0 =	sadd.s32 @!p0 $0x100000, s0;
	[bflag:$0x2] =	sbarrier.arrive $0xFFFF  }
0x5e: {  	[sflag:s0] =	ssyncadd.tile.s32 @!p0 $0x1;
	_ =	shalt  }
.Lfunc_end2:
_tile_overlayer_lowered:
.L_overlay_start_2:
0x5f: {  	(tag) =	ssettag $0x2  }
0x60: {  	s0 =	rddreg [dreg:$0x0];
	s2 =	stileid.u32  }
0x61: {  	s1 =	rddreg [dreg:$0x1];
	p0 =	sne.s32 s2, $0x0  }
0x62: {  	s3 =	rddreg [dreg:$0x2];
	[bflag:$0x3] =	sbarrier.arrive $0xFFFF;
	s2 =	simm.s32 @!p0 $0x1C03  }
0x63: {  	[timem:s3], [sflag:s2] =	dma.local @!p0 [hbm:s0], s1  }
0x64: {  	s0 =	simm.s32 @!p0 $0x3  }
0x65: {  	_ =	swait.ge @!p0 [sflag:s0], s1  }
0x66: {  	s1 =	ssub.s32 @!p0 $0x0, s1;
	[sflag:s0] =	ssyncset.done @!p0 $0x0  }
0x67: {  	[sflag:s0] =	ssyncadd.s32 @!p0 s1  }
0x68: {  	[bflag:$0x3] =	sbarrier.arrive $0xFFFF  }
0x69: {  	_ =	shalt  }

// kernel: kernel.14.cloned.1.call-start
scs
__scs_entry_jumppad:
0x0: {  	(pc) =	sbr.rel $0x88, $3  }
0x1: {  	(tag) =	ssettag $0x0;
	lr =	simm.s32 $0x1  }
0x2: {  	[smem:$0x3F8F] =	sst lr;
	_ =	strace $0xD0000000  }
0x3: {  	_ = 	snop  }
0x4: {  	_ = 	snop  }
0x5: {  	_ = 	snop  }
0x6: {  	_ = 	snop  }
0x7: {  	_ = 	snop  }
__scs_overlays_trampoline_lowered:
0x8: {  	[smem:$0x3F9E] =	sst s0  }
0x9: {  	[smem:$0x3F9F] =	sst s1  }
0xa: {  	[smem:$0x3FA0] =	sst s2  }
0xb: {  	[smem:$0x3FA1] =	sst s3  }
0xc: {  	[smem:$0x3FA2] =	sst s4  }
0xd: {  	[smem:$0x3FA3] =	sst s5  }
0xe: {  	[smem:$0x3FA4] =	sst s6  }
0xf: {  	[smem:$0x3FA5] =	sst s7  }
0x10: {  	[smem:$0x3FA6] =	sst s8  }
0x11: {  	[smem:$0x3FA7] =	sst s9;
	s0 =	simm.s32 @!p0 $0x0  }
0x12: {  	s1 =	sld [smem:$0x3F8D];
	s0 =	simm.s32 @p0 $0x1  }
0x13: {  	[smem:$0x3FA8] =	sst s0;
	s0 =	simm.s32 @!p1 $0x0  }
0x14: {  	s2 =	sld [smem:$0x3F8C];
	s0 =	simm.s32 @p1 $0x1  }
0x15: {  	[smem:$0x3FA9] =	sst s0;
	s0 =	simm.s32 @!p2 $0x0  }
0x16: {  	s3 =	sld [smem:$0x3FDB];
	s0 =	simm.s32 @p2 $0x1  }
0x17: {  	s4 =	simm.s32 $0x1BF5;
	[smem:$0x3FAB] =	sst s0  }
0x18: {  	s0 =	sld [smem:$0x3F8E];
	_ =	swait.ge [sflag:s4], $0x0  }
0x19: {  	s7 =	sld [smem:$0x3F8F]  }
0x1a: {  	s8 =	sadd.s32 $0xFFFFE003, lr  }
0x1b: {  	s9 =	sadd.s32 $0xFFFFFEF7, lr;
	s5 =	simm.s32 $0xFFFFFFFF;
	p2 =	slt.u32 s8, $0xFFFFF086  }
0x1c: {  	p1 =	slt.u32 s9, $0xF7A;
	s5 =	simm.s32 @!p2 $0x0  }
0x1d: {  	s5 =	simm.s32 @p1 $0x1;
	p0 =	seq.s32 s7, s2  }
0x1e: {  	s7 =	smul.u32 @!p0 $0xF7A, s2;
	p2 =	seq.s32 @!p0 s5, $0x0  }
0x1f: {  	s9 =	smul.u32 $0xF7A, s1;
	s8 =	simm.s32 @!p0 $0x1BF5;
	p2 =	por !p2, p0  }
0x20: {  	[sflag:s8] =	ssyncset.s32 @!p0 $0xFFFFF086;
	s6 =	sadd.s32 @!p0 s3, s7;
	s7 =	simm.s32 @!p0 $0x108  }
0x21: {  	s3 =	sadd.s32 s3, s9;
	s6 =	sadd.s32 @!p0 $0x88, s6;
	s7 =	simm.s32 @p2 $0x1082  }
0x22: {  	[simem:s7], [sflag:s8] =	dma.local @!p0 [hbm:s6], $0xF7A  }
0x23: {  	s9 =	sor.u32 $0xD0000000, s2;
	s6 =	simm.s32 $0x108;
	_ =	swait.ge @!p0 [sflag:s8], $0x0  }
0x24: {  	s3 =	sadd.s32 $0x88, s3;
	s6 =	simm.s32 @!p1 $0x1082;
	[sflag:s4] =	ssyncset.s32 $0xFFFFF086  }
0x25: {  	[simem:s6], [sflag:s4] =	dma.local [hbm:s3], $0xF7A  }
0x26: {  	[smem:$0x3F8F] =	sst s1;
	(tag) =	ssettag s2;
	_ =	strace s9  }
0x27: {  	s1 =	sld [smem:$0x3F9F]  }
0x28: {  	s2 =	sld [smem:$0x3FA0]  }
0x29: {  	s4 =	sld [smem:$0x3FA2]  }
0x2a: {  	p0 =	seq.s32 s5, $0x0;
	s5 =	sld [smem:$0x3FA3]  }
0x2b: {  	s6 =	sld [smem:$0x3FA4]  }
0x2c: {  	s7 =	sld [smem:$0x3FA5]  }
0x2d: {  	s3 =	simm.s32 $0x108;
	s8 =	sld [smem:$0x3FA6]  }
0x2e: {  	s3 =	simm.s32 @!p0 $0x1082;
	s9 =	sld [smem:$0x3FA7]  }
0x2f: {  	lr =	sadd.s32 s0, s3;
	s0 =	sld [smem:$0x3F9E]  }
0x30: {  	s3 =	sld [smem:$0x3FA1]  }
0x31: {  	[smem:$0x3FAA] =	sst s10  }
0x32: {  	s10 =	sld [smem:$0x3FA8];
	_ =	sdelay $0x3  }
0x33: {  	p0 =	seq.s32 s10, $0x1;
	s10 =	sld [smem:$0x3FAA];
	_ =	sdelay $0x3  }
0x34: {  	[smem:$0x3FAA] =	sst s10  }
0x35: {  	s10 =	sld [smem:$0x3FA9];
	_ =	sdelay $0x3  }
0x36: {  	p1 =	seq.s32 s10, $0x1;
	s10 =	sld [smem:$0x3FAA];
	_ =	sdelay $0x3  }
0x37: {  	[smem:$0x3FAA] =	sst s10  }
0x38: {  	s10 =	sld [smem:$0x3FAB]  }
0x39: {  	_ = 	snop;
	(pc) =	sbr.ind lr, $3  }
0x3a: {  	_ = 	snop  }
0x3b: {  	_ = 	snop  }
0x3c: {  	p2 =	seq.s32 s10, $0x1;
	s10 =	sld [smem:$0x3FAA]  }
0x3d: {  	_ =	shalt  }
0x3e: {  	_ =	shalt  }
0x3f: {  	_ =	shalt  }
0x40: {  	_ =	shalt  }
0x41: {  	_ =	shalt  }
0x42: {  	_ =	shalt  }
0x43: {  	_ =	shalt  }
0x44: {  	_ =	shalt  }
0x45: {  	_ =	shalt  }
0x46: {  	_ =	shalt  }
0x47: {  	_ =	shalt  }
0x48: {  	_ =	shalt  }
0x49: {  	_ =	shalt  }
0x4a: {  	_ =	shalt  }
0x4b: {  	_ =	shalt  }
0x4c: {  	_ =	shalt  }
0x4d: {  	_ =	shalt  }
0x4e: {  	_ =	shalt  }
0x4f: {  	_ =	shalt  }
0x50: {  	_ =	shalt  }
0x51: {  	_ =	shalt  }
0x52: {  	_ =	shalt  }
0x53: {  	_ =	shalt  }
0x54: {  	_ =	shalt  }
0x55: {  	_ =	shalt  }
0x56: {  	_ =	shalt  }
0x57: {  	_ =	shalt  }
0x58: {  	_ =	shalt  }
0x59: {  	_ =	shalt  }
0x5a: {  	_ =	shalt  }
0x5b: {  	_ =	shalt  }
0x5c: {  	_ =	shalt  }
0x5d: {  	_ =	shalt  }
0x5e: {  	_ =	shalt  }
0x5f: {  	_ =	shalt  }
0x60: {  	_ =	shalt  }
0x61: {  	_ =	shalt  }
0x62: {  	_ =	shalt  }
0x63: {  	_ =	shalt  }
0x64: {  	_ =	shalt  }
0x65: {  	_ =	shalt  }
0x66: {  	_ =	shalt  }
0x67: {  	_ =	shalt  }
0x68: {  	_ =	shalt  }
0x69: {  	_ =	shalt  }
0x6a: {  	_ =	shalt  }
0x6b: {  	_ =	shalt  }
0x6c: {  	_ =	shalt  }
0x6d: {  	_ =	shalt  }
0x6e: {  	_ =	shalt  }
0x6f: {  	_ =	shalt  }
0x70: {  	_ =	shalt  }
0x71: {  	_ =	shalt  }
0x72: {  	_ =	shalt  }
0x73: {  	_ =	shalt  }
0x74: {  	_ =	shalt  }
0x75: {  	_ =	shalt  }
0x76: {  	_ =	shalt  }
0x77: {  	_ =	shalt  }
0x78: {  	_ =	shalt  }
0x79: {  	_ =	shalt  }
0x7a: {  	_ =	shalt  }
0x7b: {  	_ =	shalt  }
0x7c: {  	_ =	shalt  }
0x7d: {  	_ =	shalt  }
0x7e: {  	_ =	shalt  }
0x7f: {  	_ =	shalt  }
0x80: {  	_ =	shalt  }
0x81: {  	_ =	shalt  }
0x82: {  	_ =	shalt  }
0x83: {  	_ =	shalt  }
0x84: {  	_ =	shalt  }
0x85: {  	_ =	shalt  }
0x86: {  	_ =	shalt  }
0x87: {  	_ =	shalt  }
.Lfunc_end0:
.L_simem_size_0:
called_computation.1_lowered:
.L_overlay_start_0:
0x88: {  	s2 =	sld [smem:$0x3FD9]  }
0x89: {  	s3 =	sld [smem:$0x3FFE];
	_ =	sdelay $0x1  }
0x8a: {  	s1 =	srdreg.scid  }
0x8b: {  	s0 =	sand.u32 $0x1, s1  }
0x8c: {  	s14 =	sshll.u32 s0, $0xA;
	s2 =	sadd.s32 s3, s2  }
0x8d: {  	s2 =	sadd.s32 s2, s14  }
0x8e: {  	[smem:$0x3FB6] =	sst s2  }
0x8f: {  	_ = 	snop  }
0x90: {  	s2 =	sld [smem:$0x3FD0];
	_ =	sdelay $0x2  }
0x91: {  	s15 =	simm.s32 $0xA;
	s4 =	simm.s32 $0x10  }
0x92: {  	[smem:s4], [sflag:s15] =	dma.local [hbm:s2], $0x1  }
0x93: {  	_ =	swait.eq [sflag:s15], $0x1  }
0x94: {  	[sflag:s15] =	ssyncset.done $0x0  }
0x95: {  	[sflag:s15] =	ssyncadd.s32 $0xFFFFFFFF  }
0x96: {  	s16 =	sld [smem:$0x11];
	(tm) =	ssettm $0x1  }
0x97: {  	s17 =	sld [smem:$0x3FFB];
	_ =	sdelay $0x3  }
0x98: {  	_ =	strace s17  }
0x99: {  	s3 =	sld [smem:$0x3FFC];
	_ =	sdelay $0x3  }
0x9a: {  	_ =	strace s3  }
0x9b: {  	s3 =	sld [smem:$0x3FFD];
	_ =	sdelay $0x3  }
0x9c: {  	_ =	strace s3  }
0x9d: {  	_ =	strace $0x8FFFFFFF  }
0x9e: {  	s18 =	sld [smem:$0x3FDB];
	_ =	sdelay $0x1  }
0x9f: {  	s19 =	simm.s32 $_scs_section_size  }
0xa0: {  	s5 =	simm.s32 $_size__tile_overlayer_lowered;
	s6 =	simm.s32 $_tile_overlayer_lowered  }
0xa1: {  	s22 =	simm.s32 $0x1BFF;
	s21 =	sshll.u32 s6, $0x1;
	s3 =	sadd.s32 s19, s18  }
0xa2: {  	s7 =	simm.s32 $0x0;
	s20 =	sshll.u32 s5, $0x1;
	s5 =	sadd.s32 s21, s3  }
0xa3: {  	[timem:s7], [sflag:s22] =	dma.local [hbm:s5], s20  }
0xa4: {  	_ =	swait.ge [sflag:s22], s20  }
0xa5: {  	s4 =	ssub.s32 $0x0, s20;
	[sflag:s22] =	ssyncset.done $0x0  }
0xa6: {  	[sflag:s22] =	ssyncadd.s32 s4;
	_ =	sdelay $0x1  }
0xa7: {  	s23 =	simm.s32 $0x1B8B  }
0xa8: {  	_ =	swait.ge [sflag:s23], $0x1  }
0xa9: {  	[sflag:s23] =	ssyncset.done $0x0  }
0xaa: {  	s25 =	simm.s32 $0x1B8E;
	s24 =	sld [smem:$0x3FFE];
	[sflag:s23] =	ssyncadd.s32 $0xFFFFFFFF  }
0xab: {  	s26 =	simm.s32 $execute0_lowered;
	[smem:$0x3FD2] =	sst s25  }
0xac: {  	s5 =	sshll.u32 s26, $0x1;
	_ =	strace $0x80000049;
	[dreg:$0x1] =	wrdreg $0xFFFFFFFF  }
0xad: {  	s28 =	simm.s32 $_size_execute0_lowered;
	s3 =	sadd.s32 s3, s5;
	[dreg:$0x0] =	wrdreg $0x0  }
0xae: {  	s5 =	sshll.u32 s28, $0x1;
	[dreg:$0x2] =	wrdreg s3  }
0xaf: {  	[dreg:$0x3] =	wrdreg s5  }
0xb0: {  	[dreg:$0x4] =	wrdreg $0xC0  }
0xb1: {  	_ =	task [dreg:s7], $0x5FFFF  }
0xb2: {  	[dreg:$0x1] =	wrdreg $0xFFFFFFFF  }
0xb3: {  	[dreg:$0x0] =	wrdreg $0x60  }
0xb4: {  	[dreg:$0x2] =	wrdreg s24  }
0xb5: {  	[dreg:$0x3] =	wrdreg s16  }
0xb6: {  	[dreg:$0x4] =	wrdreg $0xC1000  }
0xb7: {  	[dreg:$0x5] =	wrdreg $0x9  }
0xb8: {  	_ =	task.clear_ibuf [dreg:s7], $0x6FFFF;
	_ =	strace $0x90000049  }
0xb9: {  	s29 =	simm.s32 $0x9;
	_ =	strace $0x8000004B  }
0xba: {  	_ =	swait.ge [sflag:s29], $0x1  }
0xbb: {  	[sflag:s29] =	ssyncadd.s32 $0xFFFFFFFF  }
0xbc: {  	_ =	strace $0x9000004B  }
0xbd: {  	_ =	sfence  }
0xbe: {  	s30 =	sld [smem:$0x0];
	_ =	sdelay $0x2  }
0xbf: {  	s31 =	sshll.u32 s1, $0xD;
	s1 =	sshrl.u32 s1, $0x2  }
0xc0: {  	s3 =	sand.u32 $0x4000, s31;
	s1 =	sadd.s32 s1, s30  }
0xc1: {  	s0 =	sor.u32 s3, s0;
	s1 =	sshll.u32 s1, $0x11  }
0xc2: {  	s0 =	sor.u32 s1, s0  }
0xc3: {  	s0 =	sadd.s32 $0x8F2B, s0  }
0xc4: {  	[sflag:s0] =	ssyncadd.remote.s32 $0x1  }
0xc5: {  	_ =	sfence.sel $0xFFFF  }
0xc6: {  	[dreg:$0x0] =	wrdreg $0xFFFFFFFF;
	(pc) =	sbr.abs _section_cstart, $3  }
0xc7: {  	[dreg:$0x1] =	wrdreg $0xFFFFFFFF  }
0xc8: {  	_ =	task.clear_ibuf [dreg:s7], $0x2FFFF;
	_ =	strace $0x9FFFFFFF  }
0xc9: {  	(tm) =	ssettm $0x7FFFFFFF  }
tec
execute0_lowered:
.L_overlay_start_1:
0x0: {  	(tag) =	ssettag $0x1  }
0x1: {  	s8 =	rddreg [dreg:$0x0]  }
0x2: {  	s1 =	rddreg [dreg:$0x1]  }
0x3: {  	s2 =	rddreg [dreg:$0x2]  }
0x4: {  	s0 =	rddreg [dreg:$0x3]  }
0x5: {  	s3 =	simm.s32 $0x0;
	s4 =	srdreg.scid;
	s16 =	simm.s32 $0x4  }
0x6: {  	s17 =	simm.s32 $0x80;
	s18 =	simm.s32 $0x8100;
	s19 =	simm.s32 $0x4100  }
0x7: {  	s20 =	simm.s32 $0x1;
	s21 =	simm.s32 $0x3;
	s22 =	simm.s32 $0x2  }
0x8: {  	[smem:$0x7FF] =	sst s3;
	s9 =	sand.u32 $0x1, s4;
	s4 =	stileid.u32  }
0x9: {  	s5 =	sadd.s32 $0x54000, s8;
	s6 =	sadd.s32 $0xA26000, s8;
	s10 =	smul.u32 $0x27800, s9  }
0xa: {  	s7 =	sadd.s32 $0x7B800, s8;
	_ =	strace $0x8000004A;
	s11 =	smul.u32 $0x4F000, s4  }
0xb: {  	s28 =	ssub.s32 $0x2, s9;
	s29 =	sshll.u32 s9, $0x4;
	s24 =	smul.u32 $0x2780, s4  }
0xc: {  	s31 =	sshrl.u32 s28, $0x1;
	s12 =	sor.u32 s4, s29;
	s14 =	sadd.s32 s10, s8  }
0xd: {  	s30 =	sshrl.u32 s11, $0x2;
	s15 =	ssub.s32 s28, s31;
	s9 =	smul.u32 $0x4F, s12  }
0xe: {  	s8 =	sadd.s32 s30, s2;
	s23 =	sadd.s32 $0xA3000, s14;
	s14 =	smax.u32 s15, $0x1  }
0xf: {  	s15 =	simm.s32 $0x100;
	s10 =	sadd.s32 $0x4000, s8;
	s11 =	sadd.s32 $0x8000, s8  }
0x10: {  	v0 =	vimm.f32 $0.0e+00;
	s12 =	sadd.s32 $0xC000, s8;
	s13 =	sadd.s32 $0x10000, s8;
	s23 =	sadd.s32 s24, s23  }
.LBB2_1:
0x11: {  	s24 =	simm.s32 $0x0;
	s25 =	simm.s32 $0x200  }
.LBB2_2:
0x12: {  	p0 =	sne.s32 s25, $0xFE00;
	[tilespmem:s24+$0x170] =	vst v0  }
0x13: {  	[tilespmem:s24+$0x100] =	vst v0  }
0x14: {  	[tilespmem:s24+$0x110] =	vst v0  }
.Ltmp0:
0x15: {  	[tilespmem:s24+$0x120] =	vst v0;
	(pc) =	sbr.rel @p0 .LBB2_2-.Ltmp0, $4  }
0x16: {  	[tilespmem:s24+$0x130] =	vst v0  }
0x17: {  	[tilespmem:s24+$0x140] =	vst v0  }
0x18: {  	[tilespmem:s24+$0x150] =	vst v0  }
0x19: {  	[tilespmem:s24+$0x160] =	vst v0;
	s24 =	sshra.s32 s25, $0x2;
	s25 =	sadd.s32 $0x200, s25  }
0x1a: {  	[tilespmem:s24+$0x170] =	vst v0  }
0x1b: {  	[tilespmem:s24+$0x100] =	vst v0  }
0x1c: {  	[tilespmem:s24+$0x110] =	vst v0  }
0x1d: {  	[tilespmem:s24+$0x120] =	vst v0  }
0x1e: {  	[tilespmem:s24+$0x130] =	vst v0  }
0x1f: {  	[tilespmem:s24+$0x140] =	vst v0  }
0x20: {  	[tilespmem:s24+$0x150] =	vst v0  }
0x21: {  	[tilespmem:s24+$0x160] =	vst v0  }
0x22: {  	[spmem:s8] =	stream.linear.scatter [tilespmem:s15], [sflag:$0x4], $0x4000, $0x38;
	[tilespmem:$0x1FD00] =	vst v63  }
0x23: {  	_ =	swait.ge [sflag:s16], $0x4000  }
0x24: {  	[sflag:s16] =	ssyncset.done $0x0  }
0x25: {  	[sflag:s16] =	ssyncadd.s32 $0xFFFFC000  }
0x26: {  	[spmem:s10] =	stream.linear.scatter [tilespmem:s15], [sflag:$0x4], $0x4000, $0x38;
	[tilespmem:$0x1FD00] =	vst v63  }
0x27: {  	_ =	swait.ge [sflag:s16], $0x4000  }
0x28: {  	[sflag:s16] =	ssyncset.done $0x0  }
0x29: {  	[sflag:s16] =	ssyncadd.s32 $0xFFFFC000  }
0x2a: {  	[spmem:s11] =	stream.linear.scatter [tilespmem:s15], [sflag:$0x4], $0x4000, $0x38;
	[tilespmem:$0x1FD00] =	vst v63  }
0x2b: {  	_ =	swait.ge [sflag:s16], $0x4000  }
0x2c: {  	[sflag:s16] =	ssyncset.done $0x0  }
0x2d: {  	[sflag:s16] =	ssyncadd.s32 $0xFFFFC000  }
0x2e: {  	[spmem:s12] =	stream.linear.scatter [tilespmem:s15], [sflag:$0x4], $0x4000, $0x38;
	[tilespmem:$0x1FD00] =	vst v63  }
0x2f: {  	_ =	swait.ge [sflag:s16], $0x4000  }
0x30: {  	[sflag:s16] =	ssyncset.done $0x0  }
0x31: {  	[sflag:s16] =	ssyncadd.s32 $0xFFFFC000  }
0x32: {  	[spmem:s13] =	stream.linear.scatter [tilespmem:s15], [sflag:$0x4], $0x3C00, $0x38;
	[tilespmem:$0x1FD00] =	vst v63  }
0x33: {  	_ =	swait.ge [sflag:s16], $0x3C00  }
0x34: {  	[sflag:s16] =	ssyncset.done $0x0  }
0x35: {  	[sflag:s16] =	ssyncadd.s32 $0xFFFFC400  }
0x36: {  	s24 =	simm.s32 $0x0;
	s25 =	simm.s32 $0x0;
	[bflag:$0x0] =	sbarrier.arrive $0xFFFF  }
.LBB2_4:
0x37: {  	s26 =	sadd.s32 s9, s25  }
0x38: {  	s28 =	sshll.u32 s26, $0x5  }
0x39: {  	s28 =	sadd.s32 s1, s28  }
0x3a: {  	[tilespmem:s24], [sflag:$0x4] =	stream.linear.gather [hbm4b:s28+s24], $0x100, $0x38;
	[tilespmem:$0x1FD00] =	vst v63  }
0x3b: {  	_ =	swait.ge [sflag:s16], $0x100  }
0x3c: {  	[sflag:s16] =	ssyncset.done $0x0  }
0x3d: {  	[sflag:s16] =	ssyncadd.s32 $0xFFFFFF00  }
0x3e: {  	[tilespmem:s15], [sflag:$0x1] =	stream.indirect.gather [hbm4b:s5+s17], $0x80, s24, s17, $0xb8;
	[tilespmem:$0x1FD00] =	vst v63  }
0x3f: {  	s26 =	sshll.u32 s26, $0xB  }
0x40: {  	[tilespmem:s18], [sflag:$0x3] =	stream.indirect.gather [hbm4b:s7+s17], $0x80, s24, s17, $0xb8;
	[tilespmem:$0x1FD00] =	vst v63  }
0x41: {  	s26 =	sadd.s32 s6, s26  }
0x42: {  	[tilespmem:s19], [sflag:$0x2] =	stream.linear.gather [hbm4b:s26+s24], $0x4000, $0x38;
	[tilespmem:$0x1FD00] =	vst v63  }
0x43: {  	_ =	swait.ge [sflag:s20], $0x4000  }
0x44: {  	[sflag:s20] =	ssyncset.done $0x0  }
0x45: {  	[sflag:s20] =	ssyncadd.s32 $0xFFFFC000  }
0x46: {  	_ =	swait.ge [sflag:s21], $0x4000  }
0x47: {  	[sflag:s21] =	ssyncset.done $0x0  }
0x48: {  	[sflag:s21] =	ssyncadd.s32 $0xFFFFC000  }
0x49: {  	_ =	swait.ge [sflag:s22], $0x4000  }
0x4a: {  	[sflag:s22] =	ssyncset.done $0x0  }
0x4b: {  	s26 =	simm.s32 $0x0;
	[sflag:s22] =	ssyncadd.s32 $0xFFFFC000  }
0x4c: {  	v1 =	vld [tilespmem:s26+$0x8100]  }
0x4d: {  	v8 =	vld [tilespmem:s26+$0x4100]  }
0x4e: {  	v13 =	vld [tilespmem:s26+$0x4110]  }
0x4f: {  	v7 =	vld [tilespmem:s26+$0x4120]  }
0x50: {  	v6 =	vld [tilespmem:s26+$0x4130]  }
0x51: {  	v5 =	vld [tilespmem:s26+$0x4140]  }
0x52: {  	v4 =	vld [tilespmem:s26+$0x4150]  }
0x53: {  	v3 =	vld [tilespmem:s26+$0x4160]  }
0x54: {  	v2 =	vld [tilespmem:s26+$0x4170]  }
0x55: {  	v14 =	vld [tilespmem:s26+$0x100]  }
0x56: {  	v15 =	vld [tilespmem:s26+$0x110]  }
0x57: {  	v12 =	vld [tilespmem:s26+$0x120]  }
0x58: {  	v11 =	vld [tilespmem:s26+$0x130]  }
0x59: {  	v10 =	vld [tilespmem:s26+$0x140]  }
0x5a: {  	v9 =	vld [tilespmem:s26+$0x150];
	v14 =	vadd.f32 v8, v14  }
0x5b: {  	s28 =	simm.s32 $0x200;
	v13 =	vadd.f32 v13, v15;
	v8 =	vld [tilespmem:s26+$0x160]  }
.LBB2_5:
0x5c: {  	s29 =	sshra.s32 s28, $0x2;
	p0 =	sne.s32 s28, $0xFE00;
	v14 =	vmax.f32 v14, $0.0e+00;
	v7 =	vadd.f32 v7, v12;
	v12 =	vld [tilespmem:s26+$0x170]  }
0x5d: {  	v15 =	vld [tilespmem:s29+$0x8100];
	v14 =	vmul.f32 v14, v1;
	v13 =	vmax.f32 v13, $0.0e+00;
	v6 =	vadd.f32 v6, v11  }
0x5e: {  	v16 =	vld [tilespmem:s29+$0x4100];
	v11 =	vmul.f32 v13, v1;
	v7 =	vmax.f32 v7, $0.0e+00;
	v5 =	vadd.f32 v5, v10  }
0x5f: {  	v13 =	vld [tilespmem:s29+$0x4110];
	[tilespmem:s26+$0x100] =	vst v14;
	v10 =	vmul.f32 v7, v1;
	v6 =	vmax.f32 v6, $0.0e+00;
	v4 =	vadd.f32 v4, v9  }
0x60: {  	v7 =	vld [tilespmem:s29+$0x4120];
	[tilespmem:s26+$0x110] =	vst v11;
	v9 =	vmul.f32 v6, v1;
	v5 =	vmax.f32 v5, $0.0e+00;
	v3 =	vadd.f32 v3, v8  }
0x61: {  	v6 =	vld [tilespmem:s29+$0x4130];
	[tilespmem:s26+$0x120] =	vst v10;
	v8 =	vmul.f32 v5, v1;
	v4 =	vmax.f32 v4, $0.0e+00;
	v2 =	vadd.f32 v2, v12  }
0x62: {  	v5 =	vld [tilespmem:s29+$0x4140];
	[tilespmem:s26+$0x130] =	vst v9;
	v9 =	vmul.f32 v4, v1;
	v3 =	vmax.f32 v3, $0.0e+00  }
0x63: {  	v4 =	vld [tilespmem:s29+$0x4150];
	[tilespmem:s26+$0x140] =	vst v8;
	v8 =	vmul.f32 v3, v1;
	v2 =	vmax.f32 v2, $0.0e+00  }
0x64: {  	v3 =	vld [tilespmem:s29+$0x4160];
	[tilespmem:s26+$0x150] =	vst v9;
	v9 =	vmul.f32 v2, v1;
	v1 =	vmov v15  }
0x65: {  	v2 =	vld [tilespmem:s29+$0x4170];
	[tilespmem:s26+$0x160] =	vst v8  }
0x66: {  	v8 =	vld [tilespmem:s29+$0x100];
	[tilespmem:s26+$0x170] =	vst v9;
	s26 =	smov.u32 s29  }
0x67: {  	v15 =	vld [tilespmem:s26+$0x110]  }
.Ltmp1:
0x68: {  	v12 =	vld [tilespmem:s26+$0x120];
	(pc) =	sbr.rel @p0 .LBB2_5-.Ltmp1, $4  }
0x69: {  	v11 =	vld [tilespmem:s26+$0x130]  }
0x6a: {  	v10 =	vld [tilespmem:s26+$0x140]  }
0x6b: {  	v14 =	vadd.f32 v16, v8;
	v9 =	vld [tilespmem:s26+$0x150]  }
0x6c: {  	s28 =	sadd.s32 $0x200, s28;
	v13 =	vadd.f32 v13, v15;
	v8 =	vld [tilespmem:s26+$0x160]  }
0x6d: {  	v14 =	vmax.f32 v14, $0.0e+00;
	v7 =	vadd.f32 v7, v12;
	v62 =	vld [tilespmem:s26+$0x170]  }
0x6e: {  	v14 =	vmul.f32 v14, v1;
	v13 =	vmax.f32 v13, $0.0e+00;
	v6 =	vadd.f32 v6, v11  }
0x6f: {  	v63 =	vmul.f32 v13, v1;
	v7 =	vmax.f32 v7, $0.0e+00;
	v5 =	vadd.f32 v5, v10  }
0x70: {  	[tilespmem:s26+$0x100] =	vst v14;
	v7 =	vmul.f32 v7, v1;
	v6 =	vmax.f32 v6, $0.0e+00;
	v4 =	vadd.f32 v4, v9  }
0x71: {  	[tilespmem:s26+$0x110] =	vst v63;
	v6 =	vmul.f32 v6, v1;
	v5 =	vmax.f32 v5, $0.0e+00;
	v3 =	vadd.f32 v3, v8  }
0x72: {  	[tilespmem:s26+$0x120] =	vst v7;
	v5 =	vmul.f32 v5, v1;
	v4 =	vmax.f32 v4, $0.0e+00;
	v2 =	vadd.f32 v2, v62  }
0x73: {  	[tilespmem:s26+$0x130] =	vst v6;
	v4 =	vmul.f32 v4, v1;
	v3 =	vmax.f32 v3, $0.0e+00  }
0x74: {  	[tilespmem:s26+$0x140] =	vst v5;
	v3 =	vmul.f32 v3, v1;
	v2 =	vmax.f32 v2, $0.0e+00  }
0x75: {  	s25 =	sadd.s32 $0x1, s25;
	[tilespmem:s26+$0x150] =	vst v4;
	v1 =	vmul.f32 v2, v1  }
0x76: {  	p0 =	sne.s32 s25, $0x4F;
	[tilespmem:s26+$0x160] =	vst v3  }
.Ltmp2:
0x77: {  	[tilespmem:s26+$0x170] =	vst v1;
	(pc) =	sbr.rel @p0 .LBB2_4-.Ltmp2, $4  }
0x78: {  	[spmem:s2] =	stream.indirect.scatter.add.f32 [tilespmem:s15], [sflag:$0x4], $0x80, s17, s17, $0xb8;
	[tilespmem:$0x1FD00] =	vst v63  }
0x79: {  	_ =	swait.ge [sflag:s16], $0x4000  }
0x7a: {  	[sflag:s16] =	ssyncset.done $0x0  }
0x7b: {  	[sflag:s16] =	ssyncadd.s32 $0xFFFFC000  }
0x7c: {  	s3 =	sadd.s32 $0x1, s3  }
0x7d: {  	s24 =	sshll.u32 s4, $0x6;
	[bflag:$0x0] =	sbarrier.arrive $0xFFFF;
	p0 =	sne.s32 s3, s14  }
.Ltmp3:
0x7e: {  	s25 =	sshrl.u32 s8, $0x3;
	s24 =	sor.u32 $0x1C04, s24;
	(pc) =	sbr.rel @p0 .LBB2_1-.Ltmp3, $4  }
0x7f: {  	[hbm:s23], [sflag:s24] =	dma.local [spmem:s25], $0x2780  }
0x80: {  	_ =	swait.ge [sflag:s16], $0x2780  }
0x81: {  	[sflag:s16] =	ssyncset.done $0x0  }
0x82: {  	[sflag:s16] =	ssyncadd.s32 $0xFFFFD880  }
0x83: {  	_ =	sfence.sel $0x180000  }
0x84: {  	[bflag:$0x0] =	sbarrier.arrive $0xFFFF  }
0x85: {  	p0 =	sne.s32 s4, $0x0;
	_ =	strace $0x9000004A  }
0x86: {  	s0 =	sadd.s32 @!p0 $0x100000, s0;
	[bflag:$0x2] =	sbarrier.arrive $0xFFFF  }
0x87: {  	[sflag:s0] =	ssyncadd.tile.s32 @!p0 $0x1;
	_ =	shalt  }
.Lfunc_end2:
_tile_overlayer_lowered:
.L_overlay_start_2:
0x88: {  	(tag) =	ssettag $0x2  }
0x89: {  	s0 =	rddreg [dreg:$0x0];
	s2 =	stileid.u32  }
0x8a: {  	s1 =	rddreg [dreg:$0x1];
	p0 =	sne.s32 s2, $0x0  }
0x8b: {  	s3 =	rddreg [dreg:$0x2];
	[bflag:$0x3] =	sbarrier.arrive $0xFFFF;
	s2 =	simm.s32 @!p0 $0x1C04  }
0x8c: {  	[timem:s3], [sflag:s2] =	dma.local @!p0 [hbm:s0], s1  }
0x8d: {  	s0 =	simm.s32 @!p0 $0x4  }
0x8e: {  	_ =	swait.ge @!p0 [sflag:s0], s1  }
0x8f: {  	s1 =	ssub.s32 @!p0 $0x0, s1;
	[sflag:s0] =	ssyncset.done @!p0 $0x0  }
0x90: {  	[sflag:s0] =	ssyncadd.s32 @!p0 s1  }
0x91: {  	[bflag:$0x3] =	sbarrier.arrive $0xFFFF  }
0x92: {  	_ =	shalt  }

// kernel: kernel.17.cloned.1.call-start
scs
__scs_entry_jumppad:
0x0: {  	(pc) =	sbr.rel $0x88, $3  }
0x1: {  	(tag) =	ssettag $0x0;
	lr =	simm.s32 $0x1  }
0x2: {  	[smem:$0x3F8F] =	sst lr;
	_ =	strace $0xD0000000  }
0x3: {  	_ = 	snop  }
0x4: {  	_ = 	snop  }
0x5: {  	_ = 	snop  }
0x6: {  	_ = 	snop  }
0x7: {  	_ = 	snop  }
__scs_overlays_trampoline_lowered:
0x8: {  	[smem:$0x3F9E] =	sst s0  }
0x9: {  	[smem:$0x3F9F] =	sst s1  }
0xa: {  	[smem:$0x3FA0] =	sst s2  }
0xb: {  	[smem:$0x3FA1] =	sst s3  }
0xc: {  	[smem:$0x3FA2] =	sst s4  }
0xd: {  	[smem:$0x3FA3] =	sst s5  }
0xe: {  	[smem:$0x3FA4] =	sst s6  }
0xf: {  	[smem:$0x3FA5] =	sst s7  }
0x10: {  	[smem:$0x3FA6] =	sst s8  }
0x11: {  	[smem:$0x3FA7] =	sst s9;
	s0 =	simm.s32 @!p0 $0x0  }
0x12: {  	s1 =	sld [smem:$0x3F8D];
	s0 =	simm.s32 @p0 $0x1  }
0x13: {  	[smem:$0x3FA8] =	sst s0;
	s0 =	simm.s32 @!p1 $0x0  }
0x14: {  	s2 =	sld [smem:$0x3F8C];
	s0 =	simm.s32 @p1 $0x1  }
0x15: {  	[smem:$0x3FA9] =	sst s0;
	s0 =	simm.s32 @!p2 $0x0  }
0x16: {  	s3 =	sld [smem:$0x3FDB];
	s0 =	simm.s32 @p2 $0x1  }
0x17: {  	s4 =	simm.s32 $0x1BF5;
	[smem:$0x3FAB] =	sst s0  }
0x18: {  	s0 =	sld [smem:$0x3F8E];
	_ =	swait.ge [sflag:s4], $0x0  }
0x19: {  	s7 =	sld [smem:$0x3F8F]  }
0x1a: {  	s8 =	sadd.s32 $0xFFFFE003, lr  }
0x1b: {  	s9 =	sadd.s32 $0xFFFFFEF7, lr;
	s5 =	simm.s32 $0xFFFFFFFF;
	p2 =	slt.u32 s8, $0xFFFFF086  }
0x1c: {  	p1 =	slt.u32 s9, $0xF7A;
	s5 =	simm.s32 @!p2 $0x0  }
0x1d: {  	s5 =	simm.s32 @p1 $0x1;
	p0 =	seq.s32 s7, s2  }
0x1e: {  	s7 =	smul.u32 @!p0 $0xF7A, s2;
	p2 =	seq.s32 @!p0 s5, $0x0  }
0x1f: {  	s9 =	smul.u32 $0xF7A, s1;
	s8 =	simm.s32 @!p0 $0x1BF5;
	p2 =	por !p2, p0  }
0x20: {  	[sflag:s8] =	ssyncset.s32 @!p0 $0xFFFFF086;
	s6 =	sadd.s32 @!p0 s3, s7;
	s7 =	simm.s32 @!p0 $0x108  }
0x21: {  	s3 =	sadd.s32 s3, s9;
	s6 =	sadd.s32 @!p0 $0x88, s6;
	s7 =	simm.s32 @p2 $0x1082  }
0x22: {  	[simem:s7], [sflag:s8] =	dma.local @!p0 [hbm:s6], $0xF7A  }
0x23: {  	s9 =	sor.u32 $0xD0000000, s2;
	s6 =	simm.s32 $0x108;
	_ =	swait.ge @!p0 [sflag:s8], $0x0  }
0x24: {  	s3 =	sadd.s32 $0x88, s3;
	s6 =	simm.s32 @!p1 $0x1082;
	[sflag:s4] =	ssyncset.s32 $0xFFFFF086  }
0x25: {  	[simem:s6], [sflag:s4] =	dma.local [hbm:s3], $0xF7A  }
0x26: {  	[smem:$0x3F8F] =	sst s1;
	(tag) =	ssettag s2;
	_ =	strace s9  }
0x27: {  	s1 =	sld [smem:$0x3F9F]  }
0x28: {  	s2 =	sld [smem:$0x3FA0]  }
0x29: {  	s4 =	sld [smem:$0x3FA2]  }
0x2a: {  	p0 =	seq.s32 s5, $0x0;
	s5 =	sld [smem:$0x3FA3]  }
0x2b: {  	s6 =	sld [smem:$0x3FA4]  }
0x2c: {  	s7 =	sld [smem:$0x3FA5]  }
0x2d: {  	s3 =	simm.s32 $0x108;
	s8 =	sld [smem:$0x3FA6]  }
0x2e: {  	s3 =	simm.s32 @!p0 $0x1082;
	s9 =	sld [smem:$0x3FA7]  }
0x2f: {  	lr =	sadd.s32 s0, s3;
	s0 =	sld [smem:$0x3F9E]  }
0x30: {  	s3 =	sld [smem:$0x3FA1]  }
0x31: {  	[smem:$0x3FAA] =	sst s10  }
0x32: {  	s10 =	sld [smem:$0x3FA8];
	_ =	sdelay $0x3  }
0x33: {  	p0 =	seq.s32 s10, $0x1;
	s10 =	sld [smem:$0x3FAA];
	_ =	sdelay $0x3  }
0x34: {  	[smem:$0x3FAA] =	sst s10  }
0x35: {  	s10 =	sld [smem:$0x3FA9];
	_ =	sdelay $0x3  }
0x36: {  	p1 =	seq.s32 s10, $0x1;
	s10 =	sld [smem:$0x3FAA];
	_ =	sdelay $0x3  }
0x37: {  	[smem:$0x3FAA] =	sst s10  }
0x38: {  	s10 =	sld [smem:$0x3FAB]  }
0x39: {  	_ = 	snop;
	(pc) =	sbr.ind lr, $3  }
0x3a: {  	_ = 	snop  }
0x3b: {  	_ = 	snop  }
0x3c: {  	p2 =	seq.s32 s10, $0x1;
	s10 =	sld [smem:$0x3FAA]  }
0x3d: {  	_ =	shalt  }
0x3e: {  	_ =	shalt  }
0x3f: {  	_ =	shalt  }
0x40: {  	_ =	shalt  }
0x41: {  	_ =	shalt  }
0x42: {  	_ =	shalt  }
0x43: {  	_ =	shalt  }
0x44: {  	_ =	shalt  }
0x45: {  	_ =	shalt  }
0x46: {  	_ =	shalt  }
0x47: {  	_ =	shalt  }
0x48: {  	_ =	shalt  }
0x49: {  	_ =	shalt  }
0x4a: {  	_ =	shalt  }
0x4b: {  	_ =	shalt  }
0x4c: {  	_ =	shalt  }
0x4d: {  	_ =	shalt  }
0x4e: {  	_ =	shalt  }
0x4f: {  	_ =	shalt  }
0x50: {  	_ =	shalt  }
0x51: {  	_ =	shalt  }
0x52: {  	_ =	shalt  }
0x53: {  	_ =	shalt  }
0x54: {  	_ =	shalt  }
0x55: {  	_ =	shalt  }
0x56: {  	_ =	shalt  }
0x57: {  	_ =	shalt  }
0x58: {  	_ =	shalt  }
0x59: {  	_ =	shalt  }
0x5a: {  	_ =	shalt  }
0x5b: {  	_ =	shalt  }
0x5c: {  	_ =	shalt  }
0x5d: {  	_ =	shalt  }
0x5e: {  	_ =	shalt  }
0x5f: {  	_ =	shalt  }
0x60: {  	_ =	shalt  }
0x61: {  	_ =	shalt  }
0x62: {  	_ =	shalt  }
0x63: {  	_ =	shalt  }
0x64: {  	_ =	shalt  }
0x65: {  	_ =	shalt  }
0x66: {  	_ =	shalt  }
0x67: {  	_ =	shalt  }
0x68: {  	_ =	shalt  }
0x69: {  	_ =	shalt  }
0x6a: {  	_ =	shalt  }
0x6b: {  	_ =	shalt  }
0x6c: {  	_ =	shalt  }
0x6d: {  	_ =	shalt  }
0x6e: {  	_ =	shalt  }
0x6f: {  	_ =	shalt  }
0x70: {  	_ =	shalt  }
0x71: {  	_ =	shalt  }
0x72: {  	_ =	shalt  }
0x73: {  	_ =	shalt  }
0x74: {  	_ =	shalt  }
0x75: {  	_ =	shalt  }
0x76: {  	_ =	shalt  }
0x77: {  	_ =	shalt  }
0x78: {  	_ =	shalt  }
0x79: {  	_ =	shalt  }
0x7a: {  	_ =	shalt  }
0x7b: {  	_ =	shalt  }
0x7c: {  	_ =	shalt  }
0x7d: {  	_ =	shalt  }
0x7e: {  	_ =	shalt  }
0x7f: {  	_ =	shalt  }
0x80: {  	_ =	shalt  }
0x81: {  	_ =	shalt  }
0x82: {  	_ =	shalt  }
0x83: {  	_ =	shalt  }
0x84: {  	_ =	shalt  }
0x85: {  	_ =	shalt  }
0x86: {  	_ =	shalt  }
0x87: {  	_ =	shalt  }
.Lfunc_end0:
.L_simem_size_0:
called_computation.2_lowered:
.L_overlay_start_0:
0x88: {  	s2 =	sld [smem:$0x3FD9]  }
0x89: {  	s3 =	sld [smem:$0x3FFE];
	_ =	sdelay $0x1  }
0x8a: {  	s1 =	srdreg.scid  }
0x8b: {  	s0 =	sand.u32 $0x1, s1  }
0x8c: {  	s14 =	sshll.u32 s0, $0xA;
	s2 =	sadd.s32 s3, s2  }
0x8d: {  	s2 =	sadd.s32 s2, s14  }
0x8e: {  	[smem:$0x3FB6] =	sst s2  }
0x8f: {  	_ = 	snop  }
0x90: {  	s2 =	sld [smem:$0x3FD0];
	_ =	sdelay $0x2  }
0x91: {  	s15 =	simm.s32 $0xA;
	s4 =	simm.s32 $0x10  }
0x92: {  	[smem:s4], [sflag:s15] =	dma.local [hbm:s2], $0x1  }
0x93: {  	_ =	swait.eq [sflag:s15], $0x1  }
0x94: {  	[sflag:s15] =	ssyncset.done $0x0  }
0x95: {  	[sflag:s15] =	ssyncadd.s32 $0xFFFFFFFF  }
0x96: {  	s16 =	sld [smem:$0x11];
	(tm) =	ssettm $0x1  }
0x97: {  	s17 =	sld [smem:$0x3FFB];
	_ =	sdelay $0x3  }
0x98: {  	_ =	strace s17  }
0x99: {  	s3 =	sld [smem:$0x3FFC];
	_ =	sdelay $0x3  }
0x9a: {  	_ =	strace s3  }
0x9b: {  	s3 =	sld [smem:$0x3FFD];
	_ =	sdelay $0x3  }
0x9c: {  	_ =	strace s3  }
0x9d: {  	_ =	strace $0x8FFFFFFF  }
0x9e: {  	s18 =	sld [smem:$0x3FDB];
	_ =	sdelay $0x1  }
0x9f: {  	s19 =	simm.s32 $_scs_section_size  }
0xa0: {  	s5 =	simm.s32 $_size__tile_overlayer_lowered;
	s6 =	simm.s32 $_tile_overlayer_lowered  }
0xa1: {  	s22 =	simm.s32 $0x1BFF;
	s21 =	sshll.u32 s6, $0x1;
	s3 =	sadd.s32 s19, s18  }
0xa2: {  	s7 =	simm.s32 $0x0;
	s20 =	sshll.u32 s5, $0x1;
	s5 =	sadd.s32 s21, s3  }
0xa3: {  	[timem:s7], [sflag:s22] =	dma.local [hbm:s5], s20  }
0xa4: {  	_ =	swait.ge [sflag:s22], s20  }
0xa5: {  	s4 =	ssub.s32 $0x0, s20;
	[sflag:s22] =	ssyncset.done $0x0  }
0xa6: {  	[sflag:s22] =	ssyncadd.s32 s4;
	_ =	sdelay $0x1  }
0xa7: {  	s23 =	simm.s32 $0x1B8B  }
0xa8: {  	_ =	swait.ge [sflag:s23], $0x1  }
0xa9: {  	[sflag:s23] =	ssyncset.done $0x0  }
0xaa: {  	s25 =	simm.s32 $0x1B8E;
	s24 =	sld [smem:$0x3FFE];
	[sflag:s23] =	ssyncadd.s32 $0xFFFFFFFF  }
0xab: {  	s26 =	simm.s32 $execute0_lowered;
	[smem:$0x3FD2] =	sst s25  }
0xac: {  	s5 =	sshll.u32 s26, $0x1;
	_ =	strace $0x8000004C;
	[dreg:$0x1] =	wrdreg $0xFFFFFFFF  }
0xad: {  	s28 =	simm.s32 $_size_execute0_lowered;
	s3 =	sadd.s32 s3, s5;
	[dreg:$0x0] =	wrdreg $0x0  }
0xae: {  	s5 =	sshll.u32 s28, $0x1;
	[dreg:$0x2] =	wrdreg s3  }
0xaf: {  	[dreg:$0x3] =	wrdreg s5  }
0xb0: {  	[dreg:$0x4] =	wrdreg $0xC0  }
0xb1: {  	_ =	task [dreg:s7], $0x5FFFF  }
0xb2: {  	[dreg:$0x1] =	wrdreg $0xFFFFFFFF  }
0xb3: {  	[dreg:$0x0] =	wrdreg $0x60  }
0xb4: {  	[dreg:$0x2] =	wrdreg s24  }
0xb5: {  	[dreg:$0x3] =	wrdreg s16  }
0xb6: {  	[dreg:$0x4] =	wrdreg $0xC1000  }
0xb7: {  	[dreg:$0x5] =	wrdreg $0x9  }
0xb8: {  	_ =	task.clear_ibuf [dreg:s7], $0x6FFFF;
	_ =	strace $0x9000004C  }
0xb9: {  	s29 =	simm.s32 $0x9;
	_ =	strace $0x8000004E  }
0xba: {  	_ =	swait.ge [sflag:s29], $0x1  }
0xbb: {  	[sflag:s29] =	ssyncadd.s32 $0xFFFFFFFF  }
0xbc: {  	_ =	strace $0x9000004E  }
0xbd: {  	_ =	sfence  }
0xbe: {  	s30 =	sld [smem:$0x0];
	_ =	sdelay $0x2  }
0xbf: {  	s31 =	sshll.u32 s1, $0xD;
	s1 =	sshrl.u32 s1, $0x2  }
0xc0: {  	s3 =	sand.u32 $0x4000, s31;
	s1 =	sadd.s32 s1, s30  }
0xc1: {  	s0 =	sor.u32 s3, s0;
	s1 =	sshll.u32 s1, $0x11  }
0xc2: {  	s0 =	sor.u32 s1, s0  }
0xc3: {  	s0 =	sadd.s32 $0x8F2B, s0  }
0xc4: {  	[sflag:s0] =	ssyncadd.remote.s32 $0x1  }
0xc5: {  	_ =	sfence.sel $0xFFFF  }
0xc6: {  	[dreg:$0x0] =	wrdreg $0xFFFFFFFF;
	(pc) =	sbr.abs _section_cstart, $3  }
0xc7: {  	[dreg:$0x1] =	wrdreg $0xFFFFFFFF  }
0xc8: {  	_ =	task.clear_ibuf [dreg:s7], $0x2FFFF;
	_ =	strace $0x9FFFFFFF  }
0xc9: {  	(tm) =	ssettm $0x7FFFFFFF  }
tec
execute0_lowered:
.L_overlay_start_1:
0x0: {  	(tag) =	ssettag $0x1  }
0x1: {  	s8 =	rddreg [dreg:$0x0]  }
0x2: {  	s1 =	rddreg [dreg:$0x1]  }
0x3: {  	s2 =	rddreg [dreg:$0x2]  }
0x4: {  	s0 =	rddreg [dreg:$0x3]  }
0x5: {  	s3 =	simm.s32 $0x0;
	s4 =	srdreg.scid;
	s16 =	simm.s32 $0x4  }
0x6: {  	s17 =	simm.s32 $0x80;
	s18 =	simm.s32 $0x8100;
	s19 =	simm.s32 $0x4100  }
0x7: {  	s20 =	simm.s32 $0x1;
	s21 =	simm.s32 $0x3;
	s22 =	simm.s32 $0x2  }
0x8: {  	[smem:$0x7FF] =	sst s3;
	s9 =	sand.u32 $0x1, s4;
	s4 =	stileid.u32  }
0x9: {  	s5 =	sadd.s32 $0x54000, s8;
	s6 =	sadd.s32 $0xF16000, s8;
	s10 =	smul.u32 $0x27800, s9  }
0xa: {  	s7 =	sadd.s32 $0x7B800, s8;
	_ =	strace $0x8000004D;
	s11 =	smul.u32 $0x4F000, s4  }
0xb: {  	s28 =	ssub.s32 $0x2, s9;
	s29 =	sshll.u32 s9, $0x4;
	s24 =	smul.u32 $0x2780, s4  }
0xc: {  	s31 =	sshrl.u32 s28, $0x1;
	s12 =	sor.u32 s4, s29;
	s14 =	sadd.s32 s10, s8  }
0xd: {  	s30 =	sshrl.u32 s11, $0x2;
	s15 =	ssub.s32 s28, s31;
	s9 =	smul.u32 $0x4F, s12  }
0xe: {  	s8 =	sadd.s32 s30, s2;
	s23 =	sadd.s32 $0xA3000, s14;
	s14 =	smax.u32 s15, $0x1  }
0xf: {  	s15 =	simm.s32 $0x100;
	s10 =	sadd.s32 $0x4000, s8;
	s11 =	sadd.s32 $0x8000, s8  }
0x10: {  	v0 =	vimm.f32 $0.0e+00;
	s12 =	sadd.s32 $0xC000, s8;
	s13 =	sadd.s32 $0x10000, s8;
	s23 =	sadd.s32 s24, s23  }
.LBB2_1:
0x11: {  	s24 =	simm.s32 $0x0;
	s25 =	simm.s32 $0x200  }
.LBB2_2:
0x12: {  	p0 =	sne.s32 s25, $0xFE00;
	[tilespmem:s24+$0x170] =	vst v0  }
0x13: {  	[tilespmem:s24+$0x100] =	vst v0  }
0x14: {  	[tilespmem:s24+$0x110] =	vst v0  }
.Ltmp0:
0x15: {  	[tilespmem:s24+$0x120] =	vst v0;
	(pc) =	sbr.rel @p0 .LBB2_2-.Ltmp0, $4  }
0x16: {  	[tilespmem:s24+$0x130] =	vst v0  }
0x17: {  	[tilespmem:s24+$0x140] =	vst v0  }
0x18: {  	[tilespmem:s24+$0x150] =	vst v0  }
0x19: {  	[tilespmem:s24+$0x160] =	vst v0;
	s24 =	sshra.s32 s25, $0x2;
	s25 =	sadd.s32 $0x200, s25  }
0x1a: {  	[tilespmem:s24+$0x170] =	vst v0  }
0x1b: {  	[tilespmem:s24+$0x100] =	vst v0  }
0x1c: {  	[tilespmem:s24+$0x110] =	vst v0  }
0x1d: {  	[tilespmem:s24+$0x120] =	vst v0  }
0x1e: {  	[tilespmem:s24+$0x130] =	vst v0  }
0x1f: {  	[tilespmem:s24+$0x140] =	vst v0  }
0x20: {  	[tilespmem:s24+$0x150] =	vst v0  }
0x21: {  	[tilespmem:s24+$0x160] =	vst v0  }
0x22: {  	[spmem:s8] =	stream.linear.scatter [tilespmem:s15], [sflag:$0x4], $0x4000, $0x38;
	[tilespmem:$0x1FD00] =	vst v63  }
0x23: {  	_ =	swait.ge [sflag:s16], $0x4000  }
0x24: {  	[sflag:s16] =	ssyncset.done $0x0  }
0x25: {  	[sflag:s16] =	ssyncadd.s32 $0xFFFFC000  }
0x26: {  	[spmem:s10] =	stream.linear.scatter [tilespmem:s15], [sflag:$0x4], $0x4000, $0x38;
	[tilespmem:$0x1FD00] =	vst v63  }
0x27: {  	_ =	swait.ge [sflag:s16], $0x4000  }
0x28: {  	[sflag:s16] =	ssyncset.done $0x0  }
0x29: {  	[sflag:s16] =	ssyncadd.s32 $0xFFFFC000  }
0x2a: {  	[spmem:s11] =	stream.linear.scatter [tilespmem:s15], [sflag:$0x4], $0x4000, $0x38;
	[tilespmem:$0x1FD00] =	vst v63  }
0x2b: {  	_ =	swait.ge [sflag:s16], $0x4000  }
0x2c: {  	[sflag:s16] =	ssyncset.done $0x0  }
0x2d: {  	[sflag:s16] =	ssyncadd.s32 $0xFFFFC000  }
0x2e: {  	[spmem:s12] =	stream.linear.scatter [tilespmem:s15], [sflag:$0x4], $0x4000, $0x38;
	[tilespmem:$0x1FD00] =	vst v63  }
0x2f: {  	_ =	swait.ge [sflag:s16], $0x4000  }
0x30: {  	[sflag:s16] =	ssyncset.done $0x0  }
0x31: {  	[sflag:s16] =	ssyncadd.s32 $0xFFFFC000  }
0x32: {  	[spmem:s13] =	stream.linear.scatter [tilespmem:s15], [sflag:$0x4], $0x3C00, $0x38;
	[tilespmem:$0x1FD00] =	vst v63  }
0x33: {  	_ =	swait.ge [sflag:s16], $0x3C00  }
0x34: {  	[sflag:s16] =	ssyncset.done $0x0  }
0x35: {  	[sflag:s16] =	ssyncadd.s32 $0xFFFFC400  }
0x36: {  	s24 =	simm.s32 $0x0;
	s25 =	simm.s32 $0x0;
	[bflag:$0x0] =	sbarrier.arrive $0xFFFF  }
.LBB2_4:
0x37: {  	s26 =	sadd.s32 s9, s25  }
0x38: {  	s28 =	sshll.u32 s26, $0x5  }
0x39: {  	s28 =	sadd.s32 s1, s28  }
0x3a: {  	[tilespmem:s24], [sflag:$0x4] =	stream.linear.gather [hbm4b:s28+s24], $0x100, $0x38;
	[tilespmem:$0x1FD00] =	vst v63  }
0x3b: {  	_ =	swait.ge [sflag:s16], $0x100  }
0x3c: {  	[sflag:s16] =	ssyncset.done $0x0  }
0x3d: {  	[sflag:s16] =	ssyncadd.s32 $0xFFFFFF00  }
0x3e: {  	[tilespmem:s15], [sflag:$0x1] =	stream.indirect.gather [hbm4b:s5+s17], $0x80, s24, s17, $0xb8;
	[tilespmem:$0x1FD00] =	vst v63  }
0x3f: {  	s26 =	sshll.u32 s26, $0xB  }
0x40: {  	[tilespmem:s18], [sflag:$0x3] =	stream.indirect.gather [hbm4b:s7+s17], $0x80, s24, s17, $0xb8;
	[tilespmem:$0x1FD00] =	vst v63  }
0x41: {  	s26 =	sadd.s32 s6, s26  }
0x42: {  	[tilespmem:s19], [sflag:$0x2] =	stream.linear.gather [hbm4b:s26+s24], $0x4000, $0x38;
	[tilespmem:$0x1FD00] =	vst v63  }
0x43: {  	_ =	swait.ge [sflag:s20], $0x4000  }
0x44: {  	[sflag:s20] =	ssyncset.done $0x0  }
0x45: {  	[sflag:s20] =	ssyncadd.s32 $0xFFFFC000  }
0x46: {  	_ =	swait.ge [sflag:s21], $0x4000  }
0x47: {  	[sflag:s21] =	ssyncset.done $0x0  }
0x48: {  	[sflag:s21] =	ssyncadd.s32 $0xFFFFC000  }
0x49: {  	_ =	swait.ge [sflag:s22], $0x4000  }
0x4a: {  	[sflag:s22] =	ssyncset.done $0x0  }
0x4b: {  	s26 =	simm.s32 $0x0;
	[sflag:s22] =	ssyncadd.s32 $0xFFFFC000  }
0x4c: {  	v1 =	vld [tilespmem:s26+$0x8100]  }
0x4d: {  	v8 =	vld [tilespmem:s26+$0x4100]  }
0x4e: {  	v13 =	vld [tilespmem:s26+$0x4110]  }
0x4f: {  	v7 =	vld [tilespmem:s26+$0x4120]  }
0x50: {  	v6 =	vld [tilespmem:s26+$0x4130]  }
0x51: {  	v5 =	vld [tilespmem:s26+$0x4140]  }
0x52: {  	v4 =	vld [tilespmem:s26+$0x4150]  }
0x53: {  	v3 =	vld [tilespmem:s26+$0x4160]  }
0x54: {  	v2 =	vld [tilespmem:s26+$0x4170]  }
0x55: {  	v14 =	vld [tilespmem:s26+$0x100]  }
0x56: {  	v15 =	vld [tilespmem:s26+$0x110]  }
0x57: {  	v12 =	vld [tilespmem:s26+$0x120]  }
0x58: {  	v11 =	vld [tilespmem:s26+$0x130]  }
0x59: {  	v10 =	vld [tilespmem:s26+$0x140]  }
0x5a: {  	v9 =	vld [tilespmem:s26+$0x150];
	v14 =	vadd.f32 v8, v14  }
0x5b: {  	s28 =	simm.s32 $0x200;
	v13 =	vadd.f32 v13, v15;
	v8 =	vld [tilespmem:s26+$0x160]  }
.LBB2_5:
0x5c: {  	s29 =	sshra.s32 s28, $0x2;
	p0 =	sne.s32 s28, $0xFE00;
	v14 =	vmax.f32 v14, $0.0e+00;
	v7 =	vadd.f32 v7, v12;
	v12 =	vld [tilespmem:s26+$0x170]  }
0x5d: {  	v15 =	vld [tilespmem:s29+$0x8100];
	v14 =	vmul.f32 v14, v1;
	v13 =	vmax.f32 v13, $0.0e+00;
	v6 =	vadd.f32 v6, v11  }
0x5e: {  	v16 =	vld [tilespmem:s29+$0x4100];
	v11 =	vmul.f32 v13, v1;
	v7 =	vmax.f32 v7, $0.0e+00;
	v5 =	vadd.f32 v5, v10  }
0x5f: {  	v13 =	vld [tilespmem:s29+$0x4110];
	[tilespmem:s26+$0x100] =	vst v14;
	v10 =	vmul.f32 v7, v1;
	v6 =	vmax.f32 v6, $0.0e+00;
	v4 =	vadd.f32 v4, v9  }
0x60: {  	v7 =	vld [tilespmem:s29+$0x4120];
	[tilespmem:s26+$0x110] =	vst v11;
	v9 =	vmul.f32 v6, v1;
	v5 =	vmax.f32 v5, $0.0e+00;
	v3 =	vadd.f32 v3, v8  }
0x61: {  	v6 =	vld [tilespmem:s29+$0x4130];
	[tilespmem:s26+$0x120] =	vst v10;
	v8 =	vmul.f32 v5, v1;
	v4 =	vmax.f32 v4, $0.0e+00;
	v2 =	vadd.f32 v2, v12  }
0x62: {  	v5 =	vld [tilespmem:s29+$0x4140];
	[tilespmem:s26+$0x130] =	vst v9;
	v9 =	vmul.f32 v4, v1;
	v3 =	vmax.f32 v3, $0.0e+00  }
0x63: {  	v4 =	vld [tilespmem:s29+$0x4150];
	[tilespmem:s26+$0x140] =	vst v8;
	v8 =	vmul.f32 v3, v1;
	v2 =	vmax.f32 v2, $0.0e+00  }
0x64: {  	v3 =	vld [tilespmem:s29+$0x4160];
	[tilespmem:s26+$0x150] =	vst v9;
	v9 =	vmul.f32 v2, v1;
	v1 =	vmov v15  }
0x65: {  	v2 =	vld [tilespmem:s29+$0x4170];
	[tilespmem:s26+$0x160] =	vst v8  }
0x66: {  	v8 =	vld [tilespmem:s29+$0x100];
	[tilespmem:s26+$0x170] =	vst v9;
	s26 =	smov.u32 s29  }
0x67: {  	v15 =	vld [tilespmem:s26+$0x110]  }
.Ltmp1:
0x68: {  	v12 =	vld [tilespmem:s26+$0x120];
	(pc) =	sbr.rel @p0 .LBB2_5-.Ltmp1, $4  }
0x69: {  	v11 =	vld [tilespmem:s26+$0x130]  }
0x6a: {  	v10 =	vld [tilespmem:s26+$0x140]  }
0x6b: {  	v14 =	vadd.f32 v16, v8;
	v9 =	vld [tilespmem:s26+$0x150]  }
0x6c: {  	s28 =	sadd.s32 $0x200, s28;
	v13 =	vadd.f32 v13, v15;
	v8 =	vld [tilespmem:s26+$0x160]  }
0x6d: {  	v14 =	vmax.f32 v14, $0.0e+00;
	v7 =	vadd.f32 v7, v12;
	v62 =	vld [tilespmem:s26+$0x170]  }
0x6e: {  	v14 =	vmul.f32 v14, v1;
	v13 =	vmax.f32 v13, $0.0e+00;
	v6 =	vadd.f32 v6, v11  }
0x6f: {  	v63 =	vmul.f32 v13, v1;
	v7 =	vmax.f32 v7, $0.0e+00;
	v5 =	vadd.f32 v5, v10  }
0x70: {  	[tilespmem:s26+$0x100] =	vst v14;
	v7 =	vmul.f32 v7, v1;
	v6 =	vmax.f32 v6, $0.0e+00;
	v4 =	vadd.f32 v4, v9  }
0x71: {  	[tilespmem:s26+$0x110] =	vst v63;
	v6 =	vmul.f32 v6, v1;
	v5 =	vmax.f32 v5, $0.0e+00;
	v3 =	vadd.f32 v3, v8  }
0x72: {  	[tilespmem:s26+$0x120] =	vst v7;
	v5 =	vmul.f32 v5, v1;
	v4 =	vmax.f32 v4, $0.0e+00;
	v2 =	vadd.f32 v2, v62  }
0x73: {  	[tilespmem:s26+$0x130] =	vst v6;
	v4 =	vmul.f32 v4, v1;
	v3 =	vmax.f32 v3, $0.0e+00  }
0x74: {  	[tilespmem:s26+$0x140] =	vst v5;
	v3 =	vmul.f32 v3, v1;
	v2 =	vmax.f32 v2, $0.0e+00  }
0x75: {  	s25 =	sadd.s32 $0x1, s25;
	[tilespmem:s26+$0x150] =	vst v4;
	v1 =	vmul.f32 v2, v1  }
0x76: {  	p0 =	sne.s32 s25, $0x4F;
	[tilespmem:s26+$0x160] =	vst v3  }
.Ltmp2:
0x77: {  	[tilespmem:s26+$0x170] =	vst v1;
	(pc) =	sbr.rel @p0 .LBB2_4-.Ltmp2, $4  }
0x78: {  	[spmem:s2] =	stream.indirect.scatter.add.f32 [tilespmem:s15], [sflag:$0x4], $0x80, s17, s17, $0xb8;
	[tilespmem:$0x1FD00] =	vst v63  }
0x79: {  	_ =	swait.ge [sflag:s16], $0x4000  }
0x7a: {  	[sflag:s16] =	ssyncset.done $0x0  }
0x7b: {  	[sflag:s16] =	ssyncadd.s32 $0xFFFFC000  }
0x7c: {  	s3 =	sadd.s32 $0x1, s3  }
0x7d: {  	s24 =	sshll.u32 s4, $0x6;
	[bflag:$0x0] =	sbarrier.arrive $0xFFFF;
	p0 =	sne.s32 s3, s14  }
.Ltmp3:
0x7e: {  	s25 =	sshrl.u32 s8, $0x3;
	s24 =	sor.u32 $0x1C04, s24;
	(pc) =	sbr.rel @p0 .LBB2_1-.Ltmp3, $4  }
0x7f: {  	[hbm:s23], [sflag:s24] =	dma.local [spmem:s25], $0x2780  }
0x80: {  	_ =	swait.ge [sflag:s16], $0x2780  }
0x81: {  	[sflag:s16] =	ssyncset.done $0x0  }
0x82: {  	[sflag:s16] =	ssyncadd.s32 $0xFFFFD880  }
0x83: {  	_ =	sfence.sel $0x180000  }
0x84: {  	[bflag:$0x0] =	sbarrier.arrive $0xFFFF  }
0x85: {  	p0 =	sne.s32 s4, $0x0;
	_ =	strace $0x9000004D  }
0x86: {  	s0 =	sadd.s32 @!p0 $0x100000, s0;
	[bflag:$0x2] =	sbarrier.arrive $0xFFFF  }
0x87: {  	[sflag:s0] =	ssyncadd.tile.s32 @!p0 $0x1;
	_ =	shalt  }
.Lfunc_end2:
_tile_overlayer_lowered:
.L_overlay_start_2:
0x88: {  	(tag) =	ssettag $0x2  }
0x89: {  	s0 =	rddreg [dreg:$0x0];
	s2 =	stileid.u32  }
0x8a: {  	s1 =	rddreg [dreg:$0x1];
	p0 =	sne.s32 s2, $0x0  }
0x8b: {  	s3 =	rddreg [dreg:$0x2];
	[bflag:$0x3] =	sbarrier.arrive $0xFFFF;
	s2 =	simm.s32 @!p0 $0x1C04  }
0x8c: {  	[timem:s3], [sflag:s2] =	dma.local @!p0 [hbm:s0], s1  }
0x8d: {  	s0 =	simm.s32 @!p0 $0x4  }
0x8e: {  	_ =	swait.ge @!p0 [sflag:s0], s1  }
0x8f: {  	s1 =	ssub.s32 @!p0 $0x0, s1;
	[sflag:s0] =	ssyncset.done @!p0 $0x0  }
0x90: {  	[sflag:s0] =	ssyncadd.s32 @!p0 s1  }
0x91: {  	[bflag:$0x3] =	sbarrier.arrive $0xFFFF  }
0x92: {  	_ =	shalt  }

</sc_bundles>
